<compile_context>
chip_gen: v7x
topology: tpu7x:2x2x1
jax: 0.10.2.dev20260603
libtpu: 0.0.44.dev20260713+nightly
codegen_flags: <defaults>
</compile_context>

<pallas_src>
import functools

import jax
import jax.numpy as jnp
from jax import lax
from jax.experimental import pallas as pl
from jax.experimental.pallas import tpu as pltpu
from jax.experimental.pallas import tpu_sc as plsc

_NC = 2
_NS = 16
_NW = _NC * _NS
_L = 16


def _stats_body(alpha_ref, out_ref):
    a = alpha_ref[...]
    m = jnp.max(a)
    s = jnp.sum(jnp.exp(a - m))
    out_ref[...] = jnp.concatenate(
        [jnp.full((1, 128), m, jnp.float32),
         jnp.full((1, 128), s, jnp.float32)], axis=0)


def _softmax_stats(alpha_padded_2d):
    return pl.pallas_call(
        _stats_body,
        out_shape=jax.ShapeDtypeStruct((2, 128), jnp.float32),
    )(alpha_padded_2d)


def _sc_gather_body(nchunks, chunk, b_per_w, t_per_t, table_hbm, stats_hbm,
                    idx_hbm, out_hbm, idx_v0, idx_v1, rows_v0, rows_v1,
                    stats_v, shared,
                    sem_i0, sem_i1, sem_g0, sem_g1, sem_o0, sem_o1):
    sid = lax.axis_index("s")
    wid = sid * _NC + lax.axis_index("c")
    base = wid * b_per_w
    idx_v = [idx_v0, idx_v1]
    rows_v = [rows_v0, rows_v1]
    sem_i = [sem_i0, sem_i1]
    sem_g = [sem_g0, sem_g1]
    sem_o = [sem_o0, sem_o1]

    cp_i = [None] * nchunks
    cp_g = [None, None]
    cp_o = [None, None]
    cp_i[0] = pltpu.async_copy(idx_hbm.at[pl.ds(base, chunk)], idx_v0, sem_i0)
    if nchunks > 1:
        cp_i[1] = pltpu.async_copy(idx_hbm.at[pl.ds(base + chunk, chunk)],
                                   idx_v1, sem_i1)

    pltpu.sync_copy(stats_hbm, stats_v)
    m_g = stats_v[0, pl.ds(0, _L)]
    inv = jnp.float32(1.0) / stats_v[1, pl.ds(0, _L)]
    n = table_hbm.shape[0]
    per = n // _NS
    span = t_per_t
    toff = pl.multiple_of(sid * per - lax.rem(sid * per, 8), 8)
    pieces = []
    done = 0
    while done < span:
        piece = min(chunk, span - done)
        pieces.append((done, piece))
        done += piece
    bufs = [rows_v0, rows_v1]
    h1 = [None, None]
    h2 = [None, None]
    d0, p0 = pieces[0]
    h1[0] = pltpu.async_copy(table_hbm.at[pl.ds(toff + d0, p0)],
                             rows_v0.at[pl.ds(0, p0)], sem_g0)
    for p, (doff, plen) in enumerate(pieces):
        b = p & 1
        h1[b].wait()
        if p + 1 < len(pieces):
            nd, npc = pieces[p + 1]
            if h2[1 - b] is not None:
                h2[1 - b].wait()
            h1[1 - b] = pltpu.async_copy(
                table_hbm.at[pl.ds(toff + nd, npc)],
                bufs[1 - b].at[pl.ds(0, npc)], sem_g0)
        buf = bufs[b]

        def _nrm_body(i, _, buf=buf):
            x = buf[pl.ds(i * _L, _L)]
            buf[pl.ds(i * _L, _L)] = jnp.exp(x - m_g) * inv
            return 0

        lax.fori_loop(0, -(-plen // _L), _nrm_body, 0, unroll=8)
        h2[b] = pltpu.async_copy(bufs[b].at[pl.ds(0, plen)],
                                 shared.at[pl.ds(toff + doff, plen)],
                                 sem_o[b])
    for cp in h2:
        if cp is not None:
            cp.wait()
    plsc.subcore_barrier()

    cp_i[0].wait()
    cp_g[0] = pltpu.async_copy(shared.at[idx_v0], rows_v0, sem_g0)

    for ch in range(nchunks):
        b = ch & 1
        nb = 1 - b
        if ch + 1 < nchunks:
            if cp_o[nb] is not None:
                cp_o[nb].wait()
            cp_i[ch + 1].wait()
            cp_g[nb] = pltpu.async_copy(shared.at[idx_v[nb]], rows_v[nb],
                                        sem_g[nb])
        cp_g[b].wait()
        if ch + 2 < nchunks:
            off = base + (ch + 2) * chunk
            cp_i[ch + 2] = pltpu.async_copy(idx_hbm.at[pl.ds(off, chunk)],
                                            idx_v[b], sem_i[b])
        cp_o[b] = pltpu.async_copy(
            rows_v[b], out_hbm.at[pl.ds(base + ch * chunk, chunk)], sem_o[b])
    for cp in cp_o:
        if cp is not None:
            cp.wait()


def kernel(idx, alpha):
    batch, hist = idx.shape
    n = alpha.shape[0]

    n_pad = (-n) % 1024
    ap = jnp.pad(alpha, (0, n_pad), constant_values=-jnp.inf)
    stats = _softmax_stats(ap.reshape(-1, 128))
    del ap

    bflat = batch * hist
    assert bflat % (8 * _NW) == 0
    b_per_w = bflat // _NW
    chunk = b_per_w
    nchunks = 1
    while chunk * 16 > 208 * 1024 or chunk % _L != 0:
        nchunks += 1
        while b_per_w % nchunks != 0:
            nchunks += 1
        chunk = b_per_w // nchunks

    n_table = n
    t_per_t = -(-(n // _NS + 4) // 8) * 8

    mesh = plsc.VectorSubcoreMesh(core_axis_name="c", subcore_axis_name="s")
    gather = pl.kernel(
        functools.partial(_sc_gather_body, nchunks, chunk, b_per_w, t_per_t),
        out_type=jax.ShapeDtypeStruct((bflat,), jnp.float32),
        mesh=mesh,
        scratch_types=[
            pltpu.VMEM((chunk,), jnp.int32),
            pltpu.VMEM((chunk,), jnp.int32),
            pltpu.VMEM((chunk,), jnp.float32),
            pltpu.VMEM((chunk,), jnp.float32),
            pltpu.VMEM((2, 128), jnp.float32),
            pltpu.VMEM_SHARED((n_table,), jnp.float32),
            pltpu.SemaphoreType.DMA,
            pltpu.SemaphoreType.DMA,
            pltpu.SemaphoreType.DMA,
            pltpu.SemaphoreType.DMA,
            pltpu.SemaphoreType.DMA,
            pltpu.SemaphoreType.DMA,
        ],
    )
    out_flat = gather(alpha, stats, idx.reshape(-1))
    return out_flat.reshape(batch, hist)

# --- scband reference (transcript-rebuilt; emitter-appended) ---
"""Pipeline reference for scband-attention-params-40742059770143 (READ-ONLY COPY).

The authoritative reference and input builder live on the scoring server;
editing this copy changes nothing except your own understanding.
"""

import jax, jax.numpy as jnp
import numpy as np

N = 1000000
BATCH = 16384
HIST = 200


def setup_inputs(seed: int = 0) -> dict:
    key = jax.random.key(seed)
    k_idx, k_alpha = jax.random.split(key)
    idx = jax.random.randint(k_idx, (BATCH, HIST), 0, N, dtype=jnp.int32)
    # learned parameter: alpha = rand(N) / N
    alpha = jax.random.uniform(k_alpha, (N,), dtype=jnp.float32) / N
    return {"idx": idx, "alpha": alpha}


def reference(idx, alpha):
    # probs = softmax(alpha, dim=-1); return probs[idx]
    probs = jax.nn.softmax(alpha, axis=-1)
    return jnp.take(probs, idx, axis=0)

if __name__ == "__main__":
    import jax
    _d = setup_inputs()
    print(jax.jit(kernel)(*tuple(_d.values())))

</pallas_src>

<mosaic_0001>
#map = affine_map<(d0, d1) -> (0)>
#map1 = affine_map<(d0, d1) -> (0, 0)>
module attributes {stable_mosaic.version = 14 : i64} {
  func.func @_sc_gather_body(%arg0: i32, %arg1: i32, %arg2: memref<1000000xf32, #tpu.memory_space<hbm>>, %arg3: memref<2x128xf32, #tpu.memory_space<hbm>>, %arg4: memref<3276800xi32, #tpu.memory_space<hbm>>, %arg5: memref<3276800xf32, #tpu.memory_space<hbm>>, %arg6: memref<12800xi32, #tpu.memory_space<vmem>>, %arg7: memref<12800xi32, #tpu.memory_space<vmem>>, %arg8: memref<12800xf32, #tpu.memory_space<vmem>>, %arg9: memref<12800xf32, #tpu.memory_space<vmem>>, %arg10: memref<2x128xf32, #tpu.memory_space<vmem>>, %arg11: memref<1000000xf32, #tpu.memory_space<vmem_shared>>, %arg12: memref<!tpu.dma_semaphore, #tpu.memory_space<semaphore_mem>>, %arg13: memref<!tpu.dma_semaphore, #tpu.memory_space<semaphore_mem>>, %arg14: memref<!tpu.dma_semaphore, #tpu.memory_space<semaphore_mem>>, %arg15: memref<!tpu.dma_semaphore, #tpu.memory_space<semaphore_mem>>, %arg16: memref<!tpu.dma_semaphore, #tpu.memory_space<semaphore_mem>>, %arg17: memref<!tpu.dma_semaphore, #tpu.memory_space<semaphore_mem>>) attributes {dimension_semantics = [#tpu.dimension_semantics<core_parallel>, #tpu.dimension_semantics<subcore_parallel>], iteration_bounds = array<i64: 2, 16>, scalar_prefetch = 0 : i64, scratch_operands = 12 : i64, tpu.core_type = #tpu.core_type<sc_vector_subcore>, window_params = [{transform_indices = #map}, {transform_indices = #map1}, {transform_indices = #map}, {transform_indices = #map}]} {
    %mul3A = arith.constant 2 : i32
    %mul3A_0 = arith.muli %arg1, %mul3A : i32
    %add3A = arith.addi %mul3A_0, %arg0 : i32
    %mul3A_1 = arith.constant 102400 : i32
    %mul3A_2 = arith.muli %add3A, %mul3A_1 : i32
    %dma_start3A = tpu.memref_slice %arg4[%mul3A_2] : memref<3276800xi32, #tpu.memory_space<hbm>> -> memref<12800xi32, #tpu.memory_space<hbm>>
    %dma_start3A_3 = tpu.memref_slice %arg4[%mul3A_2] : memref<3276800xi32, #tpu.memory_space<hbm>> -> memref<12800xi32, #tpu.memory_space<hbm>>
    tpu.enqueue_dma source(%dma_start3A_3 : memref<12800xi32, #tpu.memory_space<hbm>>) target(%arg6 : memref<12800xi32, #tpu.memory_space<vmem>>) target_semaphore(%arg12 : memref<!tpu.dma_semaphore, #tpu.memory_space<semaphore_mem>>)
    %add3A_4 = arith.constant 12800 : i32
    %add3A_5 = arith.addi %mul3A_2, %add3A_4 : i32
    %dma_start3A_6 = tpu.memref_slice %arg4[%add3A_5] : memref<3276800xi32, #tpu.memory_space<hbm>> -> memref<12800xi32, #tpu.memory_space<hbm>>
    %dma_start3A_7 = tpu.memref_slice %arg4[%add3A_5] : memref<3276800xi32, #tpu.memory_space<hbm>> -> memref<12800xi32, #tpu.memory_space<hbm>>
    tpu.enqueue_dma source(%dma_start3A_7 : memref<12800xi32, #tpu.memory_space<hbm>>) target(%arg7 : memref<12800xi32, #tpu.memory_space<vmem>>) target_semaphore(%arg13 : memref<!tpu.dma_semaphore, #tpu.memory_space<semaphore_mem>>)
    "tpu.region"() ({
      %run_scoped3A = tpu.sem_alloc : memref<!tpu.dma_semaphore, #tpu.memory_space<semaphore_mem>>
      tpu.enqueue_dma source(%arg3 : memref<2x128xf32, #tpu.memory_space<hbm>>) target(%arg10 : memref<2x128xf32, #tpu.memory_space<vmem>>) target_semaphore(%run_scoped3A : memref<!tpu.dma_semaphore, #tpu.memory_space<semaphore_mem>>)
      tpu.wait_dma2 semaphore(%run_scoped3A : memref<!tpu.dma_semaphore, #tpu.memory_space<semaphore_mem>>) src(%arg3 : memref<2x128xf32, #tpu.memory_space<hbm>>) dst(%arg10 : memref<2x128xf32, #tpu.memory_space<vmem>>)
      tpu.yield
    }) : () -> ()
    %get3A = arith.constant 0 : i32
    %get3A_8 = arith.index_cast %get3A : i32 to index
    %get3A_9 = arith.constant 0 : index
    %get3A_10 = tpu.vector_load %arg10[%get3A_8, %get3A_9] {strides = array<i32>} : memref<2x128xf32, #tpu.memory_space<vmem>>, vector<1x16xf32>,
    %get3A_11 = vector.shape_cast %get3A_10 : vector<1x16xf32> to vector<16xf32>
    %get3A_12 = arith.constant 1 : i32
    %get3A_13 = arith.index_cast %get3A_12 : i32 to index
    %get3A_14 = arith.constant 0 : index
    %get3A_15 = tpu.vector_load %arg10[%get3A_13, %get3A_14] {strides = array<i32>} : memref<2x128xf32, #tpu.memory_space<vmem>>, vector<1x16xf32>,
    %get3A_16 = vector.shape_cast %get3A_15 : vector<1x16xf32> to vector<16xf32>
    %div3A = arith.constant 1.000000e+00 : f32
    %div3A_17 = vector.broadcast %div3A : f32 to vector<16xf32>
    %div3A_18 = arith.divf %div3A_17, %get3A_16 : vector<16xf32>
    %mul3A_19 = arith.constant 62500 : i32
    %mul3A_20 = arith.muli %arg1, %mul3A_19 : i32
    %mul3A_21 = arith.constant 62500 : i32
    %mul3A_22 = arith.muli %arg1, %mul3A_21 : i32
    %rem3A = arith.constant 8 : i32
    %rem3A_23 = arith.remsi %mul3A_22, %rem3A : i32
    %sub3A = arith.subi %mul3A_20, %rem3A_23 : i32
    %multiple_of3A = tpu.assume_multiple %sub3A, 8 : i32
    %add3A_24 = arith.constant 0 : i32
    %add3A_25 = arith.addi %multiple_of3A, %add3A_24 : i32
    %dma_start3A_26 = arith.constant 0 : i32
    %dma_start3A_27 = tpu.memref_slice %arg8[%dma_start3A_26] : memref<12800xf32, #tpu.memory_space<vmem>> -> memref<12800xf32, #tpu.memory_space<vmem>>
    %dma_start3A_28 = tpu.memref_slice %arg2[%add3A_25] : memref<1000000xf32, #tpu.memory_space<hbm>> -> memref<12800xf32, #tpu.memory_space<hbm>>
    %dma_start3A_29 = arith.constant 0 : i32
    %dma_start3A_30 = tpu.memref_slice %arg8[%dma_start3A_29] : memref<12800xf32, #tpu.memory_space<vmem>> -> memref<12800xf32, #tpu.memory_space<vmem>>
    %dma_start3A_31 = tpu.memref_slice %arg2[%add3A_25] : memref<1000000xf32, #tpu.memory_space<hbm>> -> memref<12800xf32, #tpu.memory_space<hbm>>
    tpu.enqueue_dma source(%dma_start3A_31 : memref<12800xf32, #tpu.memory_space<hbm>>) target(%dma_start3A_30 : memref<12800xf32, #tpu.memory_space<vmem>>) target_semaphore(%arg14 : memref<!tpu.dma_semaphore, #tpu.memory_space<semaphore_mem>>)
    %dma_wait3A = arith.constant 0 : i32
    %dma_wait3A_32 = tpu.memref_slice %arg8[%dma_wait3A] : memref<12800xf32, #tpu.memory_space<vmem>> -> memref<12800xf32, #tpu.memory_space<vmem>>
    %dma_wait3A_33 = tpu.memref_slice %arg2[%add3A_25] : memref<1000000xf32, #tpu.memory_space<hbm>> -> memref<12800xf32, #tpu.memory_space<hbm>>
    %dma_wait3A_34 = arith.constant 0 : i32
    %dma_wait3A_35 = tpu.memref_slice %arg8[%dma_wait3A_34] : memref<12800xf32, #tpu.memory_space<vmem>> -> memref<12800xf32, #tpu.memory_space<vmem>>
    %dma_wait3A_36 = tpu.memref_slice %arg2[%add3A_25] : memref<1000000xf32, #tpu.memory_space<hbm>> -> memref<12800xf32, #tpu.memory_space<hbm>>
    tpu.wait_dma2 semaphore(%arg14 : memref<!tpu.dma_semaphore, #tpu.memory_space<semaphore_mem>>) src(%dma_wait3A_36 : memref<12800xf32, #tpu.memory_space<hbm>>) dst(%dma_wait3A_35 : memref<12800xf32, #tpu.memory_space<vmem>>)
    %add3A_37 = arith.constant 12800 : i32
    %add3A_38 = arith.addi %multiple_of3A, %add3A_37 : i32
    %dma_start3A_39 = arith.constant 0 : i32
    %dma_start3A_40 = tpu.memref_slice %arg9[%dma_start3A_39] : memref<12800xf32, #tpu.memory_space<vmem>> -> memref<12800xf32, #tpu.memory_space<vmem>>
    %dma_start3A_41 = tpu.memref_slice %arg2[%add3A_38] : memref<1000000xf32, #tpu.memory_space<hbm>> -> memref<12800xf32, #tpu.memory_space<hbm>>
    %dma_start3A_42 = arith.constant 0 : i32
    %dma_start3A_43 = tpu.memref_slice %arg9[%dma_start3A_42] : memref<12800xf32, #tpu.memory_space<vmem>> -> memref<12800xf32, #tpu.memory_space<vmem>>
    %dma_start3A_44 = tpu.memref_slice %arg2[%add3A_38] : memref<1000000xf32, #tpu.memory_space<hbm>> -> memref<12800xf32, #tpu.memory_space<hbm>>
    tpu.enqueue_dma source(%dma_start3A_44 : memref<12800xf32, #tpu.memory_space<hbm>>) target(%dma_start3A_43 : memref<12800xf32, #tpu.memory_space<vmem>>) target_semaphore(%arg14 : memref<!tpu.dma_semaphore, #tpu.memory_space<semaphore_mem>>)
    %scan3A = arith.constant 0 : i32
    %scan3A_45 = arith.constant 0 : i32
    %scan3A_46 = arith.constant 800 : i32
    %scan3A_47 = arith.addi %scan3A_45, %scan3A_46 : i32
    %scan3A_48 = arith.constant 8 : i32
    %scan3A_49 = scf.for %scan3A_366 = %scan3A_45 to %scan3A_47 step %scan3A_48 iter_args(%scan3A_367 = %scan3A) -> (i32)  : i32 {
      %mul3A_368 = arith.constant 16 : i32
      %mul3A_369 = arith.muli %scan3A_366, %mul3A_368 : i32
      %get3A_370 = arith.index_cast %mul3A_369 : i32 to index
      %get3A_371 = tpu.vector_load %arg8[%get3A_370] {strides = array<i32>} : memref<12800xf32, #tpu.memory_space<vmem>>, vector<16xf32>,
      %get3A_372 = vector.shape_cast %get3A_371 : vector<16xf32> to vector<16xf32>
      %sub3A_373 = arith.subf %get3A_372, %get3A_11 : vector<16xf32>
      %exp3A_374 = math.exp %sub3A_373 : vector<16xf32>
      %mul3A_375 = arith.mulf %exp3A_374, %div3A_18 : vector<16xf32>
      %mul3A_376 = arith.constant 16 : i32
      %mul3A_377 = arith.muli %scan3A_366, %mul3A_376 : i32
      %swap3A_378 = arith.index_cast %mul3A_377 : i32 to index
      %swap3A_379 = tpu.vector_load %arg8[%swap3A_378] {strides = array<i32>} : memref<12800xf32, #tpu.memory_space<vmem>>, vector<16xf32>,
      %swap3A_380 = vector.shape_cast %swap3A_379 : vector<16xf32> to vector<16xf32>
      %swap3A_381 = vector.shape_cast %mul3A_375 : vector<16xf32> to vector<16xf32>
      tpu.vector_store %arg8[%swap3A_378], %swap3A_381 {strides = array<i32>} : memref<12800xf32, #tpu.memory_space<vmem>>, vector<16xf32>,
      %scan3A_382 = arith.constant 0 : i32
      %scan3A_383 = arith.constant 1 : i32
      %scan3A_384 = arith.addi %scan3A_366, %scan3A_383 : i32
      %mul3A_385 = arith.constant 16 : i32
      %mul3A_386 = arith.muli %scan3A_384, %mul3A_385 : i32
      %get3A_387 = arith.index_cast %mul3A_386 : i32 to index
      %get3A_388 = tpu.vector_load %arg8[%get3A_387] {strides = array<i32>} : memref<12800xf32, #tpu.memory_space<vmem>>, vector<16xf32>,
      %get3A_389 = vector.shape_cast %get3A_388 : vector<16xf32> to vector<16xf32>
      %sub3A_390 = arith.subf %get3A_389, %get3A_11 : vector<16xf32>
      %exp3A_391 = math.exp %sub3A_390 : vector<16xf32>
      %mul3A_392 = arith.mulf %exp3A_391, %div3A_18 : vector<16xf32>
      %mul3A_393 = arith.constant 16 : i32
      %mul3A_394 = arith.muli %scan3A_384, %mul3A_393 : i32
      %swap3A_395 = arith.index_cast %mul3A_394 : i32 to index
      %swap3A_396 = tpu.vector_load %arg8[%swap3A_395] {strides = array<i32>} : memref<12800xf32, #tpu.memory_space<vmem>>, vector<16xf32>,
      %swap3A_397 = vector.shape_cast %swap3A_396 : vector<16xf32> to vector<16xf32>
      %swap3A_398 = vector.shape_cast %mul3A_392 : vector<16xf32> to vector<16xf32>
      tpu.vector_store %arg8[%swap3A_395], %swap3A_398 {strides = array<i32>} : memref<12800xf32, #tpu.memory_space<vmem>>, vector<16xf32>,
      %scan3A_399 = arith.constant 0 : i32
      %scan3A_400 = arith.constant 2 : i32
      %scan3A_401 = arith.addi %scan3A_366, %scan3A_400 : i32
      %mul3A_402 = arith.constant 16 : i32
      %mul3A_403 = arith.muli %scan3A_401, %mul3A_402 : i32
      %get3A_404 = arith.index_cast %mul3A_403 : i32 to index
      %get3A_405 = tpu.vector_load %arg8[%get3A_404] {strides = array<i32>} : memref<12800xf32, #tpu.memory_space<vmem>>, vector<16xf32>,
      %get3A_406 = vector.shape_cast %get3A_405 : vector<16xf32> to vector<16xf32>
      %sub3A_407 = arith.subf %get3A_406, %get3A_11 : vector<16xf32>
      %exp3A_408 = math.exp %sub3A_407 : vector<16xf32>
      %mul3A_409 = arith.mulf %exp3A_408, %div3A_18 : vector<16xf32>
      %mul3A_410 = arith.constant 16 : i32
      %mul3A_411 = arith.muli %scan3A_401, %mul3A_410 : i32
      %swap3A_412 = arith.index_cast %mul3A_411 : i32 to index
      %swap3A_413 = tpu.vector_load %arg8[%swap3A_412] {strides = array<i32>} : memref<12800xf32, #tpu.memory_space<vmem>>, vector<16xf32>,
      %swap3A_414 = vector.shape_cast %swap3A_413 : vector<16xf32> to vector<16xf32>
      %swap3A_415 = vector.shape_cast %mul3A_409 : vector<16xf32> to vector<16xf32>
      tpu.vector_store %arg8[%swap3A_412], %swap3A_415 {strides = array<i32>} : memref<12800xf32, #tpu.memory_space<vmem>>, vector<16xf32>,
      %scan3A_416 = arith.constant 0 : i32
      %scan3A_417 = arith.constant 3 : i32
      %scan3A_418 = arith.addi %scan3A_366, %scan3A_417 : i32
      %mul3A_419 = arith.constant 16 : i32
      %mul3A_420 = arith.muli %scan3A_418, %mul3A_419 : i32
      %get3A_421 = arith.index_cast %mul3A_420 : i32 to index
      %get3A_422 = tpu.vector_load %arg8[%get3A_421] {strides = array<i32>} : memref<12800xf32, #tpu.memory_space<vmem>>, vector<16xf32>,
      %get3A_423 = vector.shape_cast %get3A_422 : vector<16xf32> to vector<16xf32>
      %sub3A_424 = arith.subf %get3A_423, %get3A_11 : vector<16xf32>
      %exp3A_425 = math.exp %sub3A_424 : vector<16xf32>
      %mul3A_426 = arith.mulf %exp3A_425, %div3A_18 : vector<16xf32>
      %mul3A_427 = arith.constant 16 : i32
      %mul3A_428 = arith.muli %scan3A_418, %mul3A_427 : i32
      %swap3A_429 = arith.index_cast %mul3A_428 : i32 to index
      %swap3A_430 = tpu.vector_load %arg8[%swap3A_429] {strides = array<i32>} : memref<12800xf32, #tpu.memory_space<vmem>>, vector<16xf32>,
      %swap3A_431 = vector.shape_cast %swap3A_430 : vector<16xf32> to vector<16xf32>
      %swap3A_432 = vector.shape_cast %mul3A_426 : vector<16xf32> to vector<16xf32>
      tpu.vector_store %arg8[%swap3A_429], %swap3A_432 {strides = array<i32>} : memref<12800xf32, #tpu.memory_space<vmem>>, vector<16xf32>,
      %scan3A_433 = arith.constant 0 : i32
      %scan3A_434 = arith.constant 4 : i32
      %scan3A_435 = arith.addi %scan3A_366, %scan3A_434 : i32
      %mul3A_436 = arith.constant 16 : i32
      %mul3A_437 = arith.muli %scan3A_435, %mul3A_436 : i32
      %get3A_438 = arith.index_cast %mul3A_437 : i32 to index
      %get3A_439 = tpu.vector_load %arg8[%get3A_438] {strides = array<i32>} : memref<12800xf32, #tpu.memory_space<vmem>>, vector<16xf32>,
      %get3A_440 = vector.shape_cast %get3A_439 : vector<16xf32> to vector<16xf32>
      %sub3A_441 = arith.subf %get3A_440, %get3A_11 : vector<16xf32>
      %exp3A_442 = math.exp %sub3A_441 : vector<16xf32>
      %mul3A_443 = arith.mulf %exp3A_442, %div3A_18 : vector<16xf32>
      %mul3A_444 = arith.constant 16 : i32
      %mul3A_445 = arith.muli %scan3A_435, %mul3A_444 : i32
      %swap3A_446 = arith.index_cast %mul3A_445 : i32 to index
      %swap3A_447 = tpu.vector_load %arg8[%swap3A_446] {strides = array<i32>} : memref<12800xf32, #tpu.memory_space<vmem>>, vector<16xf32>,
      %swap3A_448 = vector.shape_cast %swap3A_447 : vector<16xf32> to vector<16xf32>
      %swap3A_449 = vector.shape_cast %mul3A_443 : vector<16xf32> to vector<16xf32>
      tpu.vector_store %arg8[%swap3A_446], %swap3A_449 {strides = array<i32>} : memref<12800xf32, #tpu.memory_space<vmem>>, vector<16xf32>,
      %scan3A_450 = arith.constant 0 : i32
      %scan3A_451 = arith.constant 5 : i32
      %scan3A_452 = arith.addi %scan3A_366, %scan3A_451 : i32
      %mul3A_453 = arith.constant 16 : i32
      %mul3A_454 = arith.muli %scan3A_452, %mul3A_453 : i32
      %get3A_455 = arith.index_cast %mul3A_454 : i32 to index
      %get3A_456 = tpu.vector_load %arg8[%get3A_455] {strides = array<i32>} : memref<12800xf32, #tpu.memory_space<vmem>>, vector<16xf32>,
      %get3A_457 = vector.shape_cast %get3A_456 : vector<16xf32> to vector<16xf32>
      %sub3A_458 = arith.subf %get3A_457, %get3A_11 : vector<16xf32>
      %exp3A_459 = math.exp %sub3A_458 : vector<16xf32>
      %mul3A_460 = arith.mulf %exp3A_459, %div3A_18 : vector<16xf32>
      %mul3A_461 = arith.constant 16 : i32
      %mul3A_462 = arith.muli %scan3A_452, %mul3A_461 : i32
      %swap3A_463 = arith.index_cast %mul3A_462 : i32 to index
      %swap3A_464 = tpu.vector_load %arg8[%swap3A_463] {strides = array<i32>} : memref<12800xf32, #tpu.memory_space<vmem>>, vector<16xf32>,
      %swap3A_465 = vector.shape_cast %swap3A_464 : vector<16xf32> to vector<16xf32>
      %swap3A_466 = vector.shape_cast %mul3A_460 : vector<16xf32> to vector<16xf32>
      tpu.vector_store %arg8[%swap3A_463], %swap3A_466 {strides = array<i32>} : memref<12800xf32, #tpu.memory_space<vmem>>, vector<16xf32>,
      %scan3A_467 = arith.constant 0 : i32
      %scan3A_468 = arith.constant 6 : i32
      %scan3A_469 = arith.addi %scan3A_366, %scan3A_468 : i32
      %mul3A_470 = arith.constant 16 : i32
      %mul3A_471 = arith.muli %scan3A_469, %mul3A_470 : i32
      %get3A_472 = arith.index_cast %mul3A_471 : i32 to index
      %get3A_473 = tpu.vector_load %arg8[%get3A_472] {strides = array<i32>} : memref<12800xf32, #tpu.memory_space<vmem>>, vector<16xf32>,
      %get3A_474 = vector.shape_cast %get3A_473 : vector<16xf32> to vector<16xf32>
      %sub3A_475 = arith.subf %get3A_474, %get3A_11 : vector<16xf32>
      %exp3A_476 = math.exp %sub3A_475 : vector<16xf32>
      %mul3A_477 = arith.mulf %exp3A_476, %div3A_18 : vector<16xf32>
      %mul3A_478 = arith.constant 16 : i32
      %mul3A_479 = arith.muli %scan3A_469, %mul3A_478 : i32
      %swap3A_480 = arith.index_cast %mul3A_479 : i32 to index
      %swap3A_481 = tpu.vector_load %arg8[%swap3A_480] {strides = array<i32>} : memref<12800xf32, #tpu.memory_space<vmem>>, vector<16xf32>,
      %swap3A_482 = vector.shape_cast %swap3A_481 : vector<16xf32> to vector<16xf32>
      %swap3A_483 = vector.shape_cast %mul3A_477 : vector<16xf32> to vector<16xf32>
      tpu.vector_store %arg8[%swap3A_480], %swap3A_483 {strides = array<i32>} : memref<12800xf32, #tpu.memory_space<vmem>>, vector<16xf32>,
      %scan3A_484 = arith.constant 0 : i32
      %scan3A_485 = arith.constant 7 : i32
      %scan3A_486 = arith.addi %scan3A_366, %scan3A_485 : i32
      %mul3A_487 = arith.constant 16 : i32
      %mul3A_488 = arith.muli %scan3A_486, %mul3A_487 : i32
      %get3A_489 = arith.index_cast %mul3A_488 : i32 to index
      %get3A_490 = tpu.vector_load %arg8[%get3A_489] {strides = array<i32>} : memref<12800xf32, #tpu.memory_space<vmem>>, vector<16xf32>,
      %get3A_491 = vector.shape_cast %get3A_490 : vector<16xf32> to vector<16xf32>
      %sub3A_492 = arith.subf %get3A_491, %get3A_11 : vector<16xf32>
      %exp3A_493 = math.exp %sub3A_492 : vector<16xf32>
      %mul3A_494 = arith.mulf %exp3A_493, %div3A_18 : vector<16xf32>
      %mul3A_495 = arith.constant 16 : i32
      %mul3A_496 = arith.muli %scan3A_486, %mul3A_495 : i32
      %swap3A_497 = arith.index_cast %mul3A_496 : i32 to index
      %swap3A_498 = tpu.vector_load %arg8[%swap3A_497] {strides = array<i32>} : memref<12800xf32, #tpu.memory_space<vmem>>, vector<16xf32>,
      %swap3A_499 = vector.shape_cast %swap3A_498 : vector<16xf32> to vector<16xf32>
      %swap3A_500 = vector.shape_cast %mul3A_494 : vector<16xf32> to vector<16xf32>
      tpu.vector_store %arg8[%swap3A_497], %swap3A_500 {strides = array<i32>} : memref<12800xf32, #tpu.memory_space<vmem>>, vector<16xf32>,
      %scan3A_501 = arith.constant 0 : i32
      scf.yield %scan3A_501 : i32
    }
    %scan3A_50 = arith.constant 800 : i32
    %add3A_51 = arith.constant 0 : i32
    %add3A_52 = arith.addi %multiple_of3A, %add3A_51 : i32
    %dma_start3A_53 = arith.constant 0 : i32
    %dma_start3A_54 = tpu.memref_slice %arg8[%dma_start3A_53] : memref<12800xf32, #tpu.memory_space<vmem>> -> memref<12800xf32, #tpu.memory_space<vmem>>
    %dma_start3A_55 = tpu.memref_slice %arg11[%add3A_52] : memref<1000000xf32, #tpu.memory_space<vmem_shared>> -> memref<12800xf32, #tpu.memory_space<vmem_shared>>
    %dma_start3A_56 = tpu.memref_slice %arg11[%add3A_52] : memref<1000000xf32, #tpu.memory_space<vmem_shared>> -> memref<12800xf32, #tpu.memory_space<vmem_shared>>
    %dma_start3A_57 = arith.constant 0 : i32
    %dma_start3A_58 = tpu.memref_slice %arg8[%dma_start3A_57] : memref<12800xf32, #tpu.memory_space<vmem>> -> memref<12800xf32, #tpu.memory_space<vmem>>
    tpu.enqueue_dma source(%dma_start3A_58 : memref<12800xf32, #tpu.memory_space<vmem>>) target(%dma_start3A_56 : memref<12800xf32, #tpu.memory_space<vmem_shared>>) target_semaphore(%arg16 : memref<!tpu.dma_semaphore, #tpu.memory_space<semaphore_mem>>)
    %dma_wait3A_59 = arith.constant 0 : i32
    %dma_wait3A_60 = tpu.memref_slice %arg9[%dma_wait3A_59] : memref<12800xf32, #tpu.memory_space<vmem>> -> memref<12800xf32, #tpu.memory_space<vmem>>
    %dma_wait3A_61 = tpu.memref_slice %arg2[%add3A_38] : memref<1000000xf32, #tpu.memory_space<hbm>> -> memref<12800xf32, #tpu.memory_space<hbm>>
    %dma_wait3A_62 = arith.constant 0 : i32
    %dma_wait3A_63 = tpu.memref_slice %arg9[%dma_wait3A_62] : memref<12800xf32, #tpu.memory_space<vmem>> -> memref<12800xf32, #tpu.memory_space<vmem>>
    %dma_wait3A_64 = tpu.memref_slice %arg2[%add3A_38] : memref<1000000xf32, #tpu.memory_space<hbm>> -> memref<12800xf32, #tpu.memory_space<hbm>>
    tpu.wait_dma2 semaphore(%arg14 : memref<!tpu.dma_semaphore, #tpu.memory_space<semaphore_mem>>) src(%dma_wait3A_64 : memref<12800xf32, #tpu.memory_space<hbm>>) dst(%dma_wait3A_63 : memref<12800xf32, #tpu.memory_space<vmem>>)
    %dma_wait3A_65 = arith.constant 0 : i32
    %dma_wait3A_66 = tpu.memref_slice %arg8[%dma_wait3A_65] : memref<12800xf32, #tpu.memory_space<vmem>> -> memref<12800xf32, #tpu.memory_space<vmem>>
    %dma_wait3A_67 = tpu.memref_slice %arg11[%add3A_52] : memref<1000000xf32, #tpu.memory_space<vmem_shared>> -> memref<12800xf32, #tpu.memory_space<vmem_shared>>
    %dma_wait3A_68 = tpu.memref_slice %arg11[%add3A_52] : memref<1000000xf32, #tpu.memory_space<vmem_shared>> -> memref<12800xf32, #tpu.memory_space<vmem_shared>>
    %dma_wait3A_69 = arith.constant 0 : i32
    %dma_wait3A_70 = tpu.memref_slice %arg8[%dma_wait3A_69] : memref<12800xf32, #tpu.memory_space<vmem>> -> memref<12800xf32, #tpu.memory_space<vmem>>
    tpu.wait_dma2 semaphore(%arg16 : memref<!tpu.dma_semaphore, #tpu.memory_space<semaphore_mem>>) src(%dma_wait3A_70 : memref<12800xf32, #tpu.memory_space<vmem>>) dst(%dma_wait3A_68 : memref<12800xf32, #tpu.memory_space<vmem_shared>>)
    %add3A_71 = arith.constant 25600 : i32
    %add3A_72 = arith.addi %multiple_of3A, %add3A_71 : i32
    %dma_start3A_73 = arith.constant 0 : i32
    %dma_start3A_74 = tpu.memref_slice %arg8[%dma_start3A_73] : memref<12800xf32, #tpu.memory_space<vmem>> -> memref<12800xf32, #tpu.memory_space<vmem>>
    %dma_start3A_75 = tpu.memref_slice %arg2[%add3A_72] : memref<1000000xf32, #tpu.memory_space<hbm>> -> memref<12800xf32, #tpu.memory_space<hbm>>
    %dma_start3A_76 = arith.constant 0 : i32
    %dma_start3A_77 = tpu.memref_slice %arg8[%dma_start3A_76] : memref<12800xf32, #tpu.memory_space<vmem>> -> memref<12800xf32, #tpu.memory_space<vmem>>
    %dma_start3A_78 = tpu.memref_slice %arg2[%add3A_72] : memref<1000000xf32, #tpu.memory_space<hbm>> -> memref<12800xf32, #tpu.memory_space<hbm>>
    tpu.enqueue_dma source(%dma_start3A_78 : memref<12800xf32, #tpu.memory_space<hbm>>) target(%dma_start3A_77 : memref<12800xf32, #tpu.memory_space<vmem>>) target_semaphore(%arg14 : memref<!tpu.dma_semaphore, #tpu.memory_space<semaphore_mem>>)
    %scan3A_79 = arith.constant 0 : i32
    %scan3A_80 = arith.constant 0 : i32
    %scan3A_81 = arith.constant 800 : i32
    %scan3A_82 = arith.addi %scan3A_80, %scan3A_81 : i32
    %scan3A_83 = arith.constant 8 : i32
    %scan3A_84 = scf.for %scan3A_366 = %scan3A_80 to %scan3A_82 step %scan3A_83 iter_args(%scan3A_367 = %scan3A_79) -> (i32)  : i32 {
      %mul3A_368 = arith.constant 16 : i32
      %mul3A_369 = arith.muli %scan3A_366, %mul3A_368 : i32
      %get3A_370 = arith.index_cast %mul3A_369 : i32 to index
      %get3A_371 = tpu.vector_load %arg9[%get3A_370] {strides = array<i32>} : memref<12800xf32, #tpu.memory_space<vmem>>, vector<16xf32>,
      %get3A_372 = vector.shape_cast %get3A_371 : vector<16xf32> to vector<16xf32>
      %sub3A_373 = arith.subf %get3A_372, %get3A_11 : vector<16xf32>
      %exp3A_374 = math.exp %sub3A_373 : vector<16xf32>
      %mul3A_375 = arith.mulf %exp3A_374, %div3A_18 : vector<16xf32>
      %mul3A_376 = arith.constant 16 : i32
      %mul3A_377 = arith.muli %scan3A_366, %mul3A_376 : i32
      %swap3A_378 = arith.index_cast %mul3A_377 : i32 to index
      %swap3A_379 = tpu.vector_load %arg9[%swap3A_378] {strides = array<i32>} : memref<12800xf32, #tpu.memory_space<vmem>>, vector<16xf32>,
      %swap3A_380 = vector.shape_cast %swap3A_379 : vector<16xf32> to vector<16xf32>
      %swap3A_381 = vector.shape_cast %mul3A_375 : vector<16xf32> to vector<16xf32>
      tpu.vector_store %arg9[%swap3A_378], %swap3A_381 {strides = array<i32>} : memref<12800xf32, #tpu.memory_space<vmem>>, vector<16xf32>,
      %scan3A_382 = arith.constant 0 : i32
      %scan3A_383 = arith.constant 1 : i32
      %scan3A_384 = arith.addi %scan3A_366, %scan3A_383 : i32
      %mul3A_385 = arith.constant 16 : i32
      %mul3A_386 = arith.muli %scan3A_384, %mul3A_385 : i32
      %get3A_387 = arith.index_cast %mul3A_386 : i32 to index
      %get3A_388 = tpu.vector_load %arg9[%get3A_387] {strides = array<i32>} : memref<12800xf32, #tpu.memory_space<vmem>>, vector<16xf32>,
      %get3A_389 = vector.shape_cast %get3A_388 : vector<16xf32> to vector<16xf32>
      %sub3A_390 = arith.subf %get3A_389, %get3A_11 : vector<16xf32>
      %exp3A_391 = math.exp %sub3A_390 : vector<16xf32>
      %mul3A_392 = arith.mulf %exp3A_391, %div3A_18 : vector<16xf32>
      %mul3A_393 = arith.constant 16 : i32
      %mul3A_394 = arith.muli %scan3A_384, %mul3A_393 : i32
      %swap3A_395 = arith.index_cast %mul3A_394 : i32 to index
      %swap3A_396 = tpu.vector_load %arg9[%swap3A_395] {strides = array<i32>} : memref<12800xf32, #tpu.memory_space<vmem>>, vector<16xf32>,
      %swap3A_397 = vector.shape_cast %swap3A_396 : vector<16xf32> to vector<16xf32>
      %swap3A_398 = vector.shape_cast %mul3A_392 : vector<16xf32> to vector<16xf32>
      tpu.vector_store %arg9[%swap3A_395], %swap3A_398 {strides = array<i32>} : memref<12800xf32, #tpu.memory_space<vmem>>, vector<16xf32>,
      %scan3A_399 = arith.constant 0 : i32
      %scan3A_400 = arith.constant 2 : i32
      %scan3A_401 = arith.addi %scan3A_366, %scan3A_400 : i32
      %mul3A_402 = arith.constant 16 : i32
      %mul3A_403 = arith.muli %scan3A_401, %mul3A_402 : i32
      %get3A_404 = arith.index_cast %mul3A_403 : i32 to index
      %get3A_405 = tpu.vector_load %arg9[%get3A_404] {strides = array<i32>} : memref<12800xf32, #tpu.memory_space<vmem>>, vector<16xf32>,
      %get3A_406 = vector.shape_cast %get3A_405 : vector<16xf32> to vector<16xf32>
      %sub3A_407 = arith.subf %get3A_406, %get3A_11 : vector<16xf32>
      %exp3A_408 = math.exp %sub3A_407 : vector<16xf32>
      %mul3A_409 = arith.mulf %exp3A_408, %div3A_18 : vector<16xf32>
      %mul3A_410 = arith.constant 16 : i32
      %mul3A_411 = arith.muli %scan3A_401, %mul3A_410 : i32
      %swap3A_412 = arith.index_cast %mul3A_411 : i32 to index
      %swap3A_413 = tpu.vector_load %arg9[%swap3A_412] {strides = array<i32>} : memref<12800xf32, #tpu.memory_space<vmem>>, vector<16xf32>,
      %swap3A_414 = vector.shape_cast %swap3A_413 : vector<16xf32> to vector<16xf32>
      %swap3A_415 = vector.shape_cast %mul3A_409 : vector<16xf32> to vector<16xf32>
      tpu.vector_store %arg9[%swap3A_412], %swap3A_415 {strides = array<i32>} : memref<12800xf32, #tpu.memory_space<vmem>>, vector<16xf32>,
      %scan3A_416 = arith.constant 0 : i32
      %scan3A_417 = arith.constant 3 : i32
      %scan3A_418 = arith.addi %scan3A_366, %scan3A_417 : i32
      %mul3A_419 = arith.constant 16 : i32
      %mul3A_420 = arith.muli %scan3A_418, %mul3A_419 : i32
      %get3A_421 = arith.index_cast %mul3A_420 : i32 to index
      %get3A_422 = tpu.vector_load %arg9[%get3A_421] {strides = array<i32>} : memref<12800xf32, #tpu.memory_space<vmem>>, vector<16xf32>,
      %get3A_423 = vector.shape_cast %get3A_422 : vector<16xf32> to vector<16xf32>
      %sub3A_424 = arith.subf %get3A_423, %get3A_11 : vector<16xf32>
      %exp3A_425 = math.exp %sub3A_424 : vector<16xf32>
      %mul3A_426 = arith.mulf %exp3A_425, %div3A_18 : vector<16xf32>
      %mul3A_427 = arith.constant 16 : i32
      %mul3A_428 = arith.muli %scan3A_418, %mul3A_427 : i32
      %swap3A_429 = arith.index_cast %mul3A_428 : i32 to index
      %swap3A_430 = tpu.vector_load %arg9[%swap3A_429] {strides = array<i32>} : memref<12800xf32, #tpu.memory_space<vmem>>, vector<16xf32>,
      %swap3A_431 = vector.shape_cast %swap3A_430 : vector<16xf32> to vector<16xf32>
      %swap3A_432 = vector.shape_cast %mul3A_426 : vector<16xf32> to vector<16xf32>
      tpu.vector_store %arg9[%swap3A_429], %swap3A_432 {strides = array<i32>} : memref<12800xf32, #tpu.memory_space<vmem>>, vector<16xf32>,
      %scan3A_433 = arith.constant 0 : i32
      %scan3A_434 = arith.constant 4 : i32
      %scan3A_435 = arith.addi %scan3A_366, %scan3A_434 : i32
      %mul3A_436 = arith.constant 16 : i32
      %mul3A_437 = arith.muli %scan3A_435, %mul3A_436 : i32
      %get3A_438 = arith.index_cast %mul3A_437 : i32 to index
      %get3A_439 = tpu.vector_load %arg9[%get3A_438] {strides = array<i32>} : memref<12800xf32, #tpu.memory_space<vmem>>, vector<16xf32>,
      %get3A_440 = vector.shape_cast %get3A_439 : vector<16xf32> to vector<16xf32>
      %sub3A_441 = arith.subf %get3A_440, %get3A_11 : vector<16xf32>
      %exp3A_442 = math.exp %sub3A_441 : vector<16xf32>
      %mul3A_443 = arith.mulf %exp3A_442, %div3A_18 : vector<16xf32>
      %mul3A_444 = arith.constant 16 : i32
      %mul3A_445 = arith.muli %scan3A_435, %mul3A_444 : i32
      %swap3A_446 = arith.index_cast %mul3A_445 : i32 to index
      %swap3A_447 = tpu.vector_load %arg9[%swap3A_446] {strides = array<i32>} : memref<12800xf32, #tpu.memory_space<vmem>>, vector<16xf32>,
      %swap3A_448 = vector.shape_cast %swap3A_447 : vector<16xf32> to vector<16xf32>
      %swap3A_449 = vector.shape_cast %mul3A_443 : vector<16xf32> to vector<16xf32>
      tpu.vector_store %arg9[%swap3A_446], %swap3A_449 {strides = array<i32>} : memref<12800xf32, #tpu.memory_space<vmem>>, vector<16xf32>,
      %scan3A_450 = arith.constant 0 : i32
      %scan3A_451 = arith.constant 5 : i32
      %scan3A_452 = arith.addi %scan3A_366, %scan3A_451 : i32
      %mul3A_453 = arith.constant 16 : i32
      %mul3A_454 = arith.muli %scan3A_452, %mul3A_453 : i32
      %get3A_455 = arith.index_cast %mul3A_454 : i32 to index
      %get3A_456 = tpu.vector_load %arg9[%get3A_455] {strides = array<i32>} : memref<12800xf32, #tpu.memory_space<vmem>>, vector<16xf32>,
      %get3A_457 = vector.shape_cast %get3A_456 : vector<16xf32> to vector<16xf32>
      %sub3A_458 = arith.subf %get3A_457, %get3A_11 : vector<16xf32>
      %exp3A_459 = math.exp %sub3A_458 : vector<16xf32>
      %mul3A_460 = arith.mulf %exp3A_459, %div3A_18 : vector<16xf32>
      %mul3A_461 = arith.constant 16 : i32
      %mul3A_462 = arith.muli %scan3A_452, %mul3A_461 : i32
      %swap3A_463 = arith.index_cast %mul3A_462 : i32 to index
      %swap3A_464 = tpu.vector_load %arg9[%swap3A_463] {strides = array<i32>} : memref<12800xf32, #tpu.memory_space<vmem>>, vector<16xf32>,
      %swap3A_465 = vector.shape_cast %swap3A_464 : vector<16xf32> to vector<16xf32>
      %swap3A_466 = vector.shape_cast %mul3A_460 : vector<16xf32> to vector<16xf32>
      tpu.vector_store %arg9[%swap3A_463], %swap3A_466 {strides = array<i32>} : memref<12800xf32, #tpu.memory_space<vmem>>, vector<16xf32>,
      %scan3A_467 = arith.constant 0 : i32
      %scan3A_468 = arith.constant 6 : i32
      %scan3A_469 = arith.addi %scan3A_366, %scan3A_468 : i32
      %mul3A_470 = arith.constant 16 : i32
      %mul3A_471 = arith.muli %scan3A_469, %mul3A_470 : i32
      %get3A_472 = arith.index_cast %mul3A_471 : i32 to index
      %get3A_473 = tpu.vector_load %arg9[%get3A_472] {strides = array<i32>} : memref<12800xf32, #tpu.memory_space<vmem>>, vector<16xf32>,
      %get3A_474 = vector.shape_cast %get3A_473 : vector<16xf32> to vector<16xf32>
      %sub3A_475 = arith.subf %get3A_474, %get3A_11 : vector<16xf32>
      %exp3A_476 = math.exp %sub3A_475 : vector<16xf32>
      %mul3A_477 = arith.mulf %exp3A_476, %div3A_18 : vector<16xf32>
      %mul3A_478 = arith.constant 16 : i32
      %mul3A_479 = arith.muli %scan3A_469, %mul3A_478 : i32
      %swap3A_480 = arith.index_cast %mul3A_479 : i32 to index
      %swap3A_481 = tpu.vector_load %arg9[%swap3A_480] {strides = array<i32>} : memref<12800xf32, #tpu.memory_space<vmem>>, vector<16xf32>,
      %swap3A_482 = vector.shape_cast %swap3A_481 : vector<16xf32> to vector<16xf32>
      %swap3A_483 = vector.shape_cast %mul3A_477 : vector<16xf32> to vector<16xf32>
      tpu.vector_store %arg9[%swap3A_480], %swap3A_483 {strides = array<i32>} : memref<12800xf32, #tpu.memory_space<vmem>>, vector<16xf32>,
      %scan3A_484 = arith.constant 0 : i32
      %scan3A_485 = arith.constant 7 : i32
      %scan3A_486 = arith.addi %scan3A_366, %scan3A_485 : i32
      %mul3A_487 = arith.constant 16 : i32
      %mul3A_488 = arith.muli %scan3A_486, %mul3A_487 : i32
      %get3A_489 = arith.index_cast %mul3A_488 : i32 to index
      %get3A_490 = tpu.vector_load %arg9[%get3A_489] {strides = array<i32>} : memref<12800xf32, #tpu.memory_space<vmem>>, vector<16xf32>,
      %get3A_491 = vector.shape_cast %get3A_490 : vector<16xf32> to vector<16xf32>
      %sub3A_492 = arith.subf %get3A_491, %get3A_11 : vector<16xf32>
      %exp3A_493 = math.exp %sub3A_492 : vector<16xf32>
      %mul3A_494 = arith.mulf %exp3A_493, %div3A_18 : vector<16xf32>
      %mul3A_495 = arith.constant 16 : i32
      %mul3A_496 = arith.muli %scan3A_486, %mul3A_495 : i32
      %swap3A_497 = arith.index_cast %mul3A_496 : i32 to index
      %swap3A_498 = tpu.vector_load %arg9[%swap3A_497] {strides = array<i32>} : memref<12800xf32, #tpu.memory_space<vmem>>, vector<16xf32>,
      %swap3A_499 = vector.shape_cast %swap3A_498 : vector<16xf32> to vector<16xf32>
      %swap3A_500 = vector.shape_cast %mul3A_494 : vector<16xf32> to vector<16xf32>
      tpu.vector_store %arg9[%swap3A_497], %swap3A_500 {strides = array<i32>} : memref<12800xf32, #tpu.memory_space<vmem>>, vector<16xf32>,
      %scan3A_501 = arith.constant 0 : i32
      scf.yield %scan3A_501 : i32
    }
    %scan3A_85 = arith.constant 800 : i32
    %add3A_86 = arith.constant 12800 : i32
    %add3A_87 = arith.addi %multiple_of3A, %add3A_86 : i32
    %dma_start3A_88 = arith.constant 0 : i32
    %dma_start3A_89 = tpu.memref_slice %arg9[%dma_start3A_88] : memref<12800xf32, #tpu.memory_space<vmem>> -> memref<12800xf32, #tpu.memory_space<vmem>>
    %dma_start3A_90 = tpu.memref_slice %arg11[%add3A_87] : memref<1000000xf32, #tpu.memory_space<vmem_shared>> -> memref<12800xf32, #tpu.memory_space<vmem_shared>>
    %dma_start3A_91 = tpu.memref_slice %arg11[%add3A_87] : memref<1000000xf32, #tpu.memory_space<vmem_shared>> -> memref<12800xf32, #tpu.memory_space<vmem_shared>>
    %dma_start3A_92 = arith.constant 0 : i32
    %dma_start3A_93 = tpu.memref_slice %arg9[%dma_start3A_92] : memref<12800xf32, #tpu.memory_space<vmem>> -> memref<12800xf32, #tpu.memory_space<vmem>>
    tpu.enqueue_dma source(%dma_start3A_93 : memref<12800xf32, #tpu.memory_space<vmem>>) target(%dma_start3A_91 : memref<12800xf32, #tpu.memory_space<vmem_shared>>) target_semaphore(%arg17 : memref<!tpu.dma_semaphore, #tpu.memory_space<semaphore_mem>>)
    %dma_wait3A_94 = arith.constant 0 : i32
    %dma_wait3A_95 = tpu.memref_slice %arg8[%dma_wait3A_94] : memref<12800xf32, #tpu.memory_space<vmem>> -> memref<12800xf32, #tpu.memory_space<vmem>>
    %dma_wait3A_96 = tpu.memref_slice %arg2[%add3A_72] : memref<1000000xf32, #tpu.memory_space<hbm>> -> memref<12800xf32, #tpu.memory_space<hbm>>
    %dma_wait3A_97 = arith.constant 0 : i32
    %dma_wait3A_98 = tpu.memref_slice %arg8[%dma_wait3A_97] : memref<12800xf32, #tpu.memory_space<vmem>> -> memref<12800xf32, #tpu.memory_space<vmem>>
    %dma_wait3A_99 = tpu.memref_slice %arg2[%add3A_72] : memref<1000000xf32, #tpu.memory_space<hbm>> -> memref<12800xf32, #tpu.memory_space<hbm>>
    tpu.wait_dma2 semaphore(%arg14 : memref<!tpu.dma_semaphore, #tpu.memory_space<semaphore_mem>>) src(%dma_wait3A_99 : memref<12800xf32, #tpu.memory_space<hbm>>) dst(%dma_wait3A_98 : memref<12800xf32, #tpu.memory_space<vmem>>)
    %dma_wait3A_100 = arith.constant 0 : i32
    %dma_wait3A_101 = tpu.memref_slice %arg9[%dma_wait3A_100] : memref<12800xf32, #tpu.memory_space<vmem>> -> memref<12800xf32, #tpu.memory_space<vmem>>
    %dma_wait3A_102 = tpu.memref_slice %arg11[%add3A_87] : memref<1000000xf32, #tpu.memory_space<vmem_shared>> -> memref<12800xf32, #tpu.memory_space<vmem_shared>>
    %dma_wait3A_103 = tpu.memref_slice %arg11[%add3A_87] : memref<1000000xf32, #tpu.memory_space<vmem_shared>> -> memref<12800xf32, #tpu.memory_space<vmem_shared>>
    %dma_wait3A_104 = arith.constant 0 : i32
    %dma_wait3A_105 = tpu.memref_slice %arg9[%dma_wait3A_104] : memref<12800xf32, #tpu.memory_space<vmem>> -> memref<12800xf32, #tpu.memory_space<vmem>>
    tpu.wait_dma2 semaphore(%arg17 : memref<!tpu.dma_semaphore, #tpu.memory_space<semaphore_mem>>) src(%dma_wait3A_105 : memref<12800xf32, #tpu.memory_space<vmem>>) dst(%dma_wait3A_103 : memref<12800xf32, #tpu.memory_space<vmem_shared>>)
    %add3A_106 = arith.constant 38400 : i32
    %add3A_107 = arith.addi %multiple_of3A, %add3A_106 : i32
    %dma_start3A_108 = arith.constant 0 : i32
    %dma_start3A_109 = tpu.memref_slice %arg9[%dma_start3A_108] : memref<12800xf32, #tpu.memory_space<vmem>> -> memref<12800xf32, #tpu.memory_space<vmem>>
    %dma_start3A_110 = tpu.memref_slice %arg2[%add3A_107] : memref<1000000xf32, #tpu.memory_space<hbm>> -> memref<12800xf32, #tpu.memory_space<hbm>>
    %dma_start3A_111 = arith.constant 0 : i32
    %dma_start3A_112 = tpu.memref_slice %arg9[%dma_start3A_111] : memref<12800xf32, #tpu.memory_space<vmem>> -> memref<12800xf32, #tpu.memory_space<vmem>>
    %dma_start3A_113 = tpu.memref_slice %arg2[%add3A_107] : memref<1000000xf32, #tpu.memory_space<hbm>> -> memref<12800xf32, #tpu.memory_space<hbm>>
    tpu.enqueue_dma source(%dma_start3A_113 : memref<12800xf32, #tpu.memory_space<hbm>>) target(%dma_start3A_112 : memref<12800xf32, #tpu.memory_space<vmem>>) target_semaphore(%arg14 : memref<!tpu.dma_semaphore, #tpu.memory_space<semaphore_mem>>)
    %scan3A_114 = arith.constant 0 : i32
    %scan3A_115 = arith.constant 0 : i32
    %scan3A_116 = arith.constant 800 : i32
    %scan3A_117 = arith.addi %scan3A_115, %scan3A_116 : i32
    %scan3A_118 = arith.constant 8 : i32
    %scan3A_119 = scf.for %scan3A_366 = %scan3A_115 to %scan3A_117 step %scan3A_118 iter_args(%scan3A_367 = %scan3A_114) -> (i32)  : i32 {
      %mul3A_368 = arith.constant 16 : i32
      %mul3A_369 = arith.muli %scan3A_366, %mul3A_368 : i32
      %get3A_370 = arith.index_cast %mul3A_369 : i32 to index
      %get3A_371 = tpu.vector_load %arg8[%get3A_370] {strides = array<i32>} : memref<12800xf32, #tpu.memory_space<vmem>>, vector<16xf32>,
      %get3A_372 = vector.shape_cast %get3A_371 : vector<16xf32> to vector<16xf32>
      %sub3A_373 = arith.subf %get3A_372, %get3A_11 : vector<16xf32>
      %exp3A_374 = math.exp %sub3A_373 : vector<16xf32>
      %mul3A_375 = arith.mulf %exp3A_374, %div3A_18 : vector<16xf32>
      %mul3A_376 = arith.constant 16 : i32
      %mul3A_377 = arith.muli %scan3A_366, %mul3A_376 : i32
      %swap3A_378 = arith.index_cast %mul3A_377 : i32 to index
      %swap3A_379 = tpu.vector_load %arg8[%swap3A_378] {strides = array<i32>} : memref<12800xf32, #tpu.memory_space<vmem>>, vector<16xf32>,
      %swap3A_380 = vector.shape_cast %swap3A_379 : vector<16xf32> to vector<16xf32>
      %swap3A_381 = vector.shape_cast %mul3A_375 : vector<16xf32> to vector<16xf32>
      tpu.vector_store %arg8[%swap3A_378], %swap3A_381 {strides = array<i32>} : memref<12800xf32, #tpu.memory_space<vmem>>, vector<16xf32>,
      %scan3A_382 = arith.constant 0 : i32
      %scan3A_383 = arith.constant 1 : i32
      %scan3A_384 = arith.addi %scan3A_366, %scan3A_383 : i32
      %mul3A_385 = arith.constant 16 : i32
      %mul3A_386 = arith.muli %scan3A_384, %mul3A_385 : i32
      %get3A_387 = arith.index_cast %mul3A_386 : i32 to index
      %get3A_388 = tpu.vector_load %arg8[%get3A_387] {strides = array<i32>} : memref<12800xf32, #tpu.memory_space<vmem>>, vector<16xf32>,
      %get3A_389 = vector.shape_cast %get3A_388 : vector<16xf32> to vector<16xf32>
      %sub3A_390 = arith.subf %get3A_389, %get3A_11 : vector<16xf32>
      %exp3A_391 = math.exp %sub3A_390 : vector<16xf32>
      %mul3A_392 = arith.mulf %exp3A_391, %div3A_18 : vector<16xf32>
      %mul3A_393 = arith.constant 16 : i32
      %mul3A_394 = arith.muli %scan3A_384, %mul3A_393 : i32
      %swap3A_395 = arith.index_cast %mul3A_394 : i32 to index
      %swap3A_396 = tpu.vector_load %arg8[%swap3A_395] {strides = array<i32>} : memref<12800xf32, #tpu.memory_space<vmem>>, vector<16xf32>,
      %swap3A_397 = vector.shape_cast %swap3A_396 : vector<16xf32> to vector<16xf32>
      %swap3A_398 = vector.shape_cast %mul3A_392 : vector<16xf32> to vector<16xf32>
      tpu.vector_store %arg8[%swap3A_395], %swap3A_398 {strides = array<i32>} : memref<12800xf32, #tpu.memory_space<vmem>>, vector<16xf32>,
      %scan3A_399 = arith.constant 0 : i32
      %scan3A_400 = arith.constant 2 : i32
      %scan3A_401 = arith.addi %scan3A_366, %scan3A_400 : i32
      %mul3A_402 = arith.constant 16 : i32
      %mul3A_403 = arith.muli %scan3A_401, %mul3A_402 : i32
      %get3A_404 = arith.index_cast %mul3A_403 : i32 to index
      %get3A_405 = tpu.vector_load %arg8[%get3A_404] {strides = array<i32>} : memref<12800xf32, #tpu.memory_space<vmem>>, vector<16xf32>,
      %get3A_406 = vector.shape_cast %get3A_405 : vector<16xf32> to vector<16xf32>
      %sub3A_407 = arith.subf %get3A_406, %get3A_11 : vector<16xf32>
      %exp3A_408 = math.exp %sub3A_407 : vector<16xf32>
      %mul3A_409 = arith.mulf %exp3A_408, %div3A_18 : vector<16xf32>
      %mul3A_410 = arith.constant 16 : i32
      %mul3A_411 = arith.muli %scan3A_401, %mul3A_410 : i32
      %swap3A_412 = arith.index_cast %mul3A_411 : i32 to index
      %swap3A_413 = tpu.vector_load %arg8[%swap3A_412] {strides = array<i32>} : memref<12800xf32, #tpu.memory_space<vmem>>, vector<16xf32>,
      %swap3A_414 = vector.shape_cast %swap3A_413 : vector<16xf32> to vector<16xf32>
      %swap3A_415 = vector.shape_cast %mul3A_409 : vector<16xf32> to vector<16xf32>
      tpu.vector_store %arg8[%swap3A_412], %swap3A_415 {strides = array<i32>} : memref<12800xf32, #tpu.memory_space<vmem>>, vector<16xf32>,
      %scan3A_416 = arith.constant 0 : i32
      %scan3A_417 = arith.constant 3 : i32
      %scan3A_418 = arith.addi %scan3A_366, %scan3A_417 : i32
      %mul3A_419 = arith.constant 16 : i32
      %mul3A_420 = arith.muli %scan3A_418, %mul3A_419 : i32
      %get3A_421 = arith.index_cast %mul3A_420 : i32 to index
      %get3A_422 = tpu.vector_load %arg8[%get3A_421] {strides = array<i32>} : memref<12800xf32, #tpu.memory_space<vmem>>, vector<16xf32>,
      %get3A_423 = vector.shape_cast %get3A_422 : vector<16xf32> to vector<16xf32>
      %sub3A_424 = arith.subf %get3A_423, %get3A_11 : vector<16xf32>
      %exp3A_425 = math.exp %sub3A_424 : vector<16xf32>
      %mul3A_426 = arith.mulf %exp3A_425, %div3A_18 : vector<16xf32>
      %mul3A_427 = arith.constant 16 : i32
      %mul3A_428 = arith.muli %scan3A_418, %mul3A_427 : i32
      %swap3A_429 = arith.index_cast %mul3A_428 : i32 to index
      %swap3A_430 = tpu.vector_load %arg8[%swap3A_429] {strides = array<i32>} : memref<12800xf32, #tpu.memory_space<vmem>>, vector<16xf32>,
      %swap3A_431 = vector.shape_cast %swap3A_430 : vector<16xf32> to vector<16xf32>
      %swap3A_432 = vector.shape_cast %mul3A_426 : vector<16xf32> to vector<16xf32>
      tpu.vector_store %arg8[%swap3A_429], %swap3A_432 {strides = array<i32>} : memref<12800xf32, #tpu.memory_space<vmem>>, vector<16xf32>,
      %scan3A_433 = arith.constant 0 : i32
      %scan3A_434 = arith.constant 4 : i32
      %scan3A_435 = arith.addi %scan3A_366, %scan3A_434 : i32
      %mul3A_436 = arith.constant 16 : i32
      %mul3A_437 = arith.muli %scan3A_435, %mul3A_436 : i32
      %get3A_438 = arith.index_cast %mul3A_437 : i32 to index
      %get3A_439 = tpu.vector_load %arg8[%get3A_438] {strides = array<i32>} : memref<12800xf32, #tpu.memory_space<vmem>>, vector<16xf32>,
      %get3A_440 = vector.shape_cast %get3A_439 : vector<16xf32> to vector<16xf32>
      %sub3A_441 = arith.subf %get3A_440, %get3A_11 : vector<16xf32>
      %exp3A_442 = math.exp %sub3A_441 : vector<16xf32>
      %mul3A_443 = arith.mulf %exp3A_442, %div3A_18 : vector<16xf32>
      %mul3A_444 = arith.constant 16 : i32
      %mul3A_445 = arith.muli %scan3A_435, %mul3A_444 : i32
      %swap3A_446 = arith.index_cast %mul3A_445 : i32 to index
      %swap3A_447 = tpu.vector_load %arg8[%swap3A_446] {strides = array<i32>} : memref<12800xf32, #tpu.memory_space<vmem>>, vector<16xf32>,
      %swap3A_448 = vector.shape_cast %swap3A_447 : vector<16xf32> to vector<16xf32>
      %swap3A_449 = vector.shape_cast %mul3A_443 : vector<16xf32> to vector<16xf32>
      tpu.vector_store %arg8[%swap3A_446], %swap3A_449 {strides = array<i32>} : memref<12800xf32, #tpu.memory_space<vmem>>, vector<16xf32>,
      %scan3A_450 = arith.constant 0 : i32
      %scan3A_451 = arith.constant 5 : i32
      %scan3A_452 = arith.addi %scan3A_366, %scan3A_451 : i32
      %mul3A_453 = arith.constant 16 : i32
      %mul3A_454 = arith.muli %scan3A_452, %mul3A_453 : i32
      %get3A_455 = arith.index_cast %mul3A_454 : i32 to index
      %get3A_456 = tpu.vector_load %arg8[%get3A_455] {strides = array<i32>} : memref<12800xf32, #tpu.memory_space<vmem>>, vector<16xf32>,
      %get3A_457 = vector.shape_cast %get3A_456 : vector<16xf32> to vector<16xf32>
      %sub3A_458 = arith.subf %get3A_457, %get3A_11 : vector<16xf32>
      %exp3A_459 = math.exp %sub3A_458 : vector<16xf32>
      %mul3A_460 = arith.mulf %exp3A_459, %div3A_18 : vector<16xf32>
      %mul3A_461 = arith.constant 16 : i32
      %mul3A_462 = arith.muli %scan3A_452, %mul3A_461 : i32
      %swap3A_463 = arith.index_cast %mul3A_462 : i32 to index
      %swap3A_464 = tpu.vector_load %arg8[%swap3A_463] {strides = array<i32>} : memref<12800xf32, #tpu.memory_space<vmem>>, vector<16xf32>,
      %swap3A_465 = vector.shape_cast %swap3A_464 : vector<16xf32> to vector<16xf32>
      %swap3A_466 = vector.shape_cast %mul3A_460 : vector<16xf32> to vector<16xf32>
      tpu.vector_store %arg8[%swap3A_463], %swap3A_466 {strides = array<i32>} : memref<12800xf32, #tpu.memory_space<vmem>>, vector<16xf32>,
      %scan3A_467 = arith.constant 0 : i32
      %scan3A_468 = arith.constant 6 : i32
      %scan3A_469 = arith.addi %scan3A_366, %scan3A_468 : i32
      %mul3A_470 = arith.constant 16 : i32
      %mul3A_471 = arith.muli %scan3A_469, %mul3A_470 : i32
      %get3A_472 = arith.index_cast %mul3A_471 : i32 to index
      %get3A_473 = tpu.vector_load %arg8[%get3A_472] {strides = array<i32>} : memref<12800xf32, #tpu.memory_space<vmem>>, vector<16xf32>,
      %get3A_474 = vector.shape_cast %get3A_473 : vector<16xf32> to vector<16xf32>
      %sub3A_475 = arith.subf %get3A_474, %get3A_11 : vector<16xf32>
      %exp3A_476 = math.exp %sub3A_475 : vector<16xf32>
      %mul3A_477 = arith.mulf %exp3A_476, %div3A_18 : vector<16xf32>
      %mul3A_478 = arith.constant 16 : i32
      %mul3A_479 = arith.muli %scan3A_469, %mul3A_478 : i32
      %swap3A_480 = arith.index_cast %mul3A_479 : i32 to index
      %swap3A_481 = tpu.vector_load %arg8[%swap3A_480] {strides = array<i32>} : memref<12800xf32, #tpu.memory_space<vmem>>, vector<16xf32>,
      %swap3A_482 = vector.shape_cast %swap3A_481 : vector<16xf32> to vector<16xf32>
      %swap3A_483 = vector.shape_cast %mul3A_477 : vector<16xf32> to vector<16xf32>
      tpu.vector_store %arg8[%swap3A_480], %swap3A_483 {strides = array<i32>} : memref<12800xf32, #tpu.memory_space<vmem>>, vector<16xf32>,
      %scan3A_484 = arith.constant 0 : i32
      %scan3A_485 = arith.constant 7 : i32
      %scan3A_486 = arith.addi %scan3A_366, %scan3A_485 : i32
      %mul3A_487 = arith.constant 16 : i32
      %mul3A_488 = arith.muli %scan3A_486, %mul3A_487 : i32
      %get3A_489 = arith.index_cast %mul3A_488 : i32 to index
      %get3A_490 = tpu.vector_load %arg8[%get3A_489] {strides = array<i32>} : memref<12800xf32, #tpu.memory_space<vmem>>, vector<16xf32>,
      %get3A_491 = vector.shape_cast %get3A_490 : vector<16xf32> to vector<16xf32>
      %sub3A_492 = arith.subf %get3A_491, %get3A_11 : vector<16xf32>
      %exp3A_493 = math.exp %sub3A_492 : vector<16xf32>
      %mul3A_494 = arith.mulf %exp3A_493, %div3A_18 : vector<16xf32>
      %mul3A_495 = arith.constant 16 : i32
      %mul3A_496 = arith.muli %scan3A_486, %mul3A_495 : i32
      %swap3A_497 = arith.index_cast %mul3A_496 : i32 to index
      %swap3A_498 = tpu.vector_load %arg8[%swap3A_497] {strides = array<i32>} : memref<12800xf32, #tpu.memory_space<vmem>>, vector<16xf32>,
      %swap3A_499 = vector.shape_cast %swap3A_498 : vector<16xf32> to vector<16xf32>
      %swap3A_500 = vector.shape_cast %mul3A_494 : vector<16xf32> to vector<16xf32>
      tpu.vector_store %arg8[%swap3A_497], %swap3A_500 {strides = array<i32>} : memref<12800xf32, #tpu.memory_space<vmem>>, vector<16xf32>,
      %scan3A_501 = arith.constant 0 : i32
      scf.yield %scan3A_501 : i32
    }
    %scan3A_120 = arith.constant 800 : i32
    %add3A_121 = arith.constant 25600 : i32
    %add3A_122 = arith.addi %multiple_of3A, %add3A_121 : i32
    %dma_start3A_123 = arith.constant 0 : i32
    %dma_start3A_124 = tpu.memref_slice %arg8[%dma_start3A_123] : memref<12800xf32, #tpu.memory_space<vmem>> -> memref<12800xf32, #tpu.memory_space<vmem>>
    %dma_start3A_125 = tpu.memref_slice %arg11[%add3A_122] : memref<1000000xf32, #tpu.memory_space<vmem_shared>> -> memref<12800xf32, #tpu.memory_space<vmem_shared>>
    %dma_start3A_126 = tpu.memref_slice %arg11[%add3A_122] : memref<1000000xf32, #tpu.memory_space<vmem_shared>> -> memref<12800xf32, #tpu.memory_space<vmem_shared>>
    %dma_start3A_127 = arith.constant 0 : i32
    %dma_start3A_128 = tpu.memref_slice %arg8[%dma_start3A_127] : memref<12800xf32, #tpu.memory_space<vmem>> -> memref<12800xf32, #tpu.memory_space<vmem>>
    tpu.enqueue_dma source(%dma_start3A_128 : memref<12800xf32, #tpu.memory_space<vmem>>) target(%dma_start3A_126 : memref<12800xf32, #tpu.memory_space<vmem_shared>>) target_semaphore(%arg16 : memref<!tpu.dma_semaphore, #tpu.memory_space<semaphore_mem>>)
    %dma_wait3A_129 = arith.constant 0 : i32
    %dma_wait3A_130 = tpu.memref_slice %arg9[%dma_wait3A_129] : memref<12800xf32, #tpu.memory_space<vmem>> -> memref<12800xf32, #tpu.memory_space<vmem>>
    %dma_wait3A_131 = tpu.memref_slice %arg2[%add3A_107] : memref<1000000xf32, #tpu.memory_space<hbm>> -> memref<12800xf32, #tpu.memory_space<hbm>>
    %dma_wait3A_132 = arith.constant 0 : i32
    %dma_wait3A_133 = tpu.memref_slice %arg9[%dma_wait3A_132] : memref<12800xf32, #tpu.memory_space<vmem>> -> memref<12800xf32, #tpu.memory_space<vmem>>
    %dma_wait3A_134 = tpu.memref_slice %arg2[%add3A_107] : memref<1000000xf32, #tpu.memory_space<hbm>> -> memref<12800xf32, #tpu.memory_space<hbm>>
    tpu.wait_dma2 semaphore(%arg14 : memref<!tpu.dma_semaphore, #tpu.memory_space<semaphore_mem>>) src(%dma_wait3A_134 : memref<12800xf32, #tpu.memory_space<hbm>>) dst(%dma_wait3A_133 : memref<12800xf32, #tpu.memory_space<vmem>>)
    %dma_wait3A_135 = arith.constant 0 : i32
    %dma_wait3A_136 = tpu.memref_slice %arg8[%dma_wait3A_135] : memref<12800xf32, #tpu.memory_space<vmem>> -> memref<12800xf32, #tpu.memory_space<vmem>>
    %dma_wait3A_137 = tpu.memref_slice %arg11[%add3A_122] : memref<1000000xf32, #tpu.memory_space<vmem_shared>> -> memref<12800xf32, #tpu.memory_space<vmem_shared>>
    %dma_wait3A_138 = tpu.memref_slice %arg11[%add3A_122] : memref<1000000xf32, #tpu.memory_space<vmem_shared>> -> memref<12800xf32, #tpu.memory_space<vmem_shared>>
    %dma_wait3A_139 = arith.constant 0 : i32
    %dma_wait3A_140 = tpu.memref_slice %arg8[%dma_wait3A_139] : memref<12800xf32, #tpu.memory_space<vmem>> -> memref<12800xf32, #tpu.memory_space<vmem>>
    tpu.wait_dma2 semaphore(%arg16 : memref<!tpu.dma_semaphore, #tpu.memory_space<semaphore_mem>>) src(%dma_wait3A_140 : memref<12800xf32, #tpu.memory_space<vmem>>) dst(%dma_wait3A_138 : memref<12800xf32, #tpu.memory_space<vmem_shared>>)
    %add3A_141 = arith.constant 51200 : i32
    %add3A_142 = arith.addi %multiple_of3A, %add3A_141 : i32
    %dma_start3A_143 = arith.constant 0 : i32
    %dma_start3A_144 = tpu.memref_slice %arg8[%dma_start3A_143] : memref<12800xf32, #tpu.memory_space<vmem>> -> memref<11304xf32, #tpu.memory_space<vmem>>
    %dma_start3A_145 = tpu.memref_slice %arg2[%add3A_142] : memref<1000000xf32, #tpu.memory_space<hbm>> -> memref<11304xf32, #tpu.memory_space<hbm>>
    %dma_start3A_146 = arith.constant 0 : i32
    %dma_start3A_147 = tpu.memref_slice %arg8[%dma_start3A_146] : memref<12800xf32, #tpu.memory_space<vmem>> -> memref<11304xf32, #tpu.memory_space<vmem>>
    %dma_start3A_148 = tpu.memref_slice %arg2[%add3A_142] : memref<1000000xf32, #tpu.memory_space<hbm>> -> memref<11304xf32, #tpu.memory_space<hbm>>
    tpu.enqueue_dma source(%dma_start3A_148 : memref<11304xf32, #tpu.memory_space<hbm>>) target(%dma_start3A_147 : memref<11304xf32, #tpu.memory_space<vmem>>) target_semaphore(%arg14 : memref<!tpu.dma_semaphore, #tpu.memory_space<semaphore_mem>>)
    %scan3A_149 = arith.constant 0 : i32
    %scan3A_150 = arith.constant 0 : i32
    %scan3A_151 = arith.constant 800 : i32
    %scan3A_152 = arith.addi %scan3A_150, %scan3A_151 : i32
    %scan3A_153 = arith.constant 8 : i32
    %scan3A_154 = scf.for %scan3A_366 = %scan3A_150 to %scan3A_152 step %scan3A_153 iter_args(%scan3A_367 = %scan3A_149) -> (i32)  : i32 {
      %mul3A_368 = arith.constant 16 : i32
      %mul3A_369 = arith.muli %scan3A_366, %mul3A_368 : i32
      %get3A_370 = arith.index_cast %mul3A_369 : i32 to index
      %get3A_371 = tpu.vector_load %arg9[%get3A_370] {strides = array<i32>} : memref<12800xf32, #tpu.memory_space<vmem>>, vector<16xf32>,
      %get3A_372 = vector.shape_cast %get3A_371 : vector<16xf32> to vector<16xf32>
      %sub3A_373 = arith.subf %get3A_372, %get3A_11 : vector<16xf32>
      %exp3A_374 = math.exp %sub3A_373 : vector<16xf32>
      %mul3A_375 = arith.mulf %exp3A_374, %div3A_18 : vector<16xf32>
      %mul3A_376 = arith.constant 16 : i32
      %mul3A_377 = arith.muli %scan3A_366, %mul3A_376 : i32
      %swap3A_378 = arith.index_cast %mul3A_377 : i32 to index
      %swap3A_379 = tpu.vector_load %arg9[%swap3A_378] {strides = array<i32>} : memref<12800xf32, #tpu.memory_space<vmem>>, vector<16xf32>,
      %swap3A_380 = vector.shape_cast %swap3A_379 : vector<16xf32> to vector<16xf32>
      %swap3A_381 = vector.shape_cast %mul3A_375 : vector<16xf32> to vector<16xf32>
      tpu.vector_store %arg9[%swap3A_378], %swap3A_381 {strides = array<i32>} : memref<12800xf32, #tpu.memory_space<vmem>>, vector<16xf32>,
      %scan3A_382 = arith.constant 0 : i32
      %scan3A_383 = arith.constant 1 : i32
      %scan3A_384 = arith.addi %scan3A_366, %scan3A_383 : i32
      %mul3A_385 = arith.constant 16 : i32
      %mul3A_386 = arith.muli %scan3A_384, %mul3A_385 : i32
      %get3A_387 = arith.index_cast %mul3A_386 : i32 to index
      %get3A_388 = tpu.vector_load %arg9[%get3A_387] {strides = array<i32>} : memref<12800xf32, #tpu.memory_space<vmem>>, vector<16xf32>,
      %get3A_389 = vector.shape_cast %get3A_388 : vector<16xf32> to vector<16xf32>
      %sub3A_390 = arith.subf %get3A_389, %get3A_11 : vector<16xf32>
      %exp3A_391 = math.exp %sub3A_390 : vector<16xf32>
      %mul3A_392 = arith.mulf %exp3A_391, %div3A_18 : vector<16xf32>
      %mul3A_393 = arith.constant 16 : i32
      %mul3A_394 = arith.muli %scan3A_384, %mul3A_393 : i32
      %swap3A_395 = arith.index_cast %mul3A_394 : i32 to index
      %swap3A_396 = tpu.vector_load %arg9[%swap3A_395] {strides = array<i32>} : memref<12800xf32, #tpu.memory_space<vmem>>, vector<16xf32>,
      %swap3A_397 = vector.shape_cast %swap3A_396 : vector<16xf32> to vector<16xf32>
      %swap3A_398 = vector.shape_cast %mul3A_392 : vector<16xf32> to vector<16xf32>
      tpu.vector_store %arg9[%swap3A_395], %swap3A_398 {strides = array<i32>} : memref<12800xf32, #tpu.memory_space<vmem>>, vector<16xf32>,
      %scan3A_399 = arith.constant 0 : i32
      %scan3A_400 = arith.constant 2 : i32
      %scan3A_401 = arith.addi %scan3A_366, %scan3A_400 : i32
      %mul3A_402 = arith.constant 16 : i32
      %mul3A_403 = arith.muli %scan3A_401, %mul3A_402 : i32
      %get3A_404 = arith.index_cast %mul3A_403 : i32 to index
      %get3A_405 = tpu.vector_load %arg9[%get3A_404] {strides = array<i32>} : memref<12800xf32, #tpu.memory_space<vmem>>, vector<16xf32>,
      %get3A_406 = vector.shape_cast %get3A_405 : vector<16xf32> to vector<16xf32>
      %sub3A_407 = arith.subf %get3A_406, %get3A_11 : vector<16xf32>
      %exp3A_408 = math.exp %sub3A_407 : vector<16xf32>
      %mul3A_409 = arith.mulf %exp3A_408, %div3A_18 : vector<16xf32>
      %mul3A_410 = arith.constant 16 : i32
      %mul3A_411 = arith.muli %scan3A_401, %mul3A_410 : i32
      %swap3A_412 = arith.index_cast %mul3A_411 : i32 to index
      %swap3A_413 = tpu.vector_load %arg9[%swap3A_412] {strides = array<i32>} : memref<12800xf32, #tpu.memory_space<vmem>>, vector<16xf32>,
      %swap3A_414 = vector.shape_cast %swap3A_413 : vector<16xf32> to vector<16xf32>
      %swap3A_415 = vector.shape_cast %mul3A_409 : vector<16xf32> to vector<16xf32>
      tpu.vector_store %arg9[%swap3A_412], %swap3A_415 {strides = array<i32>} : memref<12800xf32, #tpu.memory_space<vmem>>, vector<16xf32>,
      %scan3A_416 = arith.constant 0 : i32
      %scan3A_417 = arith.constant 3 : i32
      %scan3A_418 = arith.addi %scan3A_366, %scan3A_417 : i32
      %mul3A_419 = arith.constant 16 : i32
      %mul3A_420 = arith.muli %scan3A_418, %mul3A_419 : i32
      %get3A_421 = arith.index_cast %mul3A_420 : i32 to index
      %get3A_422 = tpu.vector_load %arg9[%get3A_421] {strides = array<i32>} : memref<12800xf32, #tpu.memory_space<vmem>>, vector<16xf32>,
      %get3A_423 = vector.shape_cast %get3A_422 : vector<16xf32> to vector<16xf32>
      %sub3A_424 = arith.subf %get3A_423, %get3A_11 : vector<16xf32>
      %exp3A_425 = math.exp %sub3A_424 : vector<16xf32>
      %mul3A_426 = arith.mulf %exp3A_425, %div3A_18 : vector<16xf32>
      %mul3A_427 = arith.constant 16 : i32
      %mul3A_428 = arith.muli %scan3A_418, %mul3A_427 : i32
      %swap3A_429 = arith.index_cast %mul3A_428 : i32 to index
      %swap3A_430 = tpu.vector_load %arg9[%swap3A_429] {strides = array<i32>} : memref<12800xf32, #tpu.memory_space<vmem>>, vector<16xf32>,
      %swap3A_431 = vector.shape_cast %swap3A_430 : vector<16xf32> to vector<16xf32>
      %swap3A_432 = vector.shape_cast %mul3A_426 : vector<16xf32> to vector<16xf32>
      tpu.vector_store %arg9[%swap3A_429], %swap3A_432 {strides = array<i32>} : memref<12800xf32, #tpu.memory_space<vmem>>, vector<16xf32>,
      %scan3A_433 = arith.constant 0 : i32
      %scan3A_434 = arith.constant 4 : i32
      %scan3A_435 = arith.addi %scan3A_366, %scan3A_434 : i32
      %mul3A_436 = arith.constant 16 : i32
      %mul3A_437 = arith.muli %scan3A_435, %mul3A_436 : i32
      %get3A_438 = arith.index_cast %mul3A_437 : i32 to index
      %get3A_439 = tpu.vector_load %arg9[%get3A_438] {strides = array<i32>} : memref<12800xf32, #tpu.memory_space<vmem>>, vector<16xf32>,
      %get3A_440 = vector.shape_cast %get3A_439 : vector<16xf32> to vector<16xf32>
      %sub3A_441 = arith.subf %get3A_440, %get3A_11 : vector<16xf32>
      %exp3A_442 = math.exp %sub3A_441 : vector<16xf32>
      %mul3A_443 = arith.mulf %exp3A_442, %div3A_18 : vector<16xf32>
      %mul3A_444 = arith.constant 16 : i32
      %mul3A_445 = arith.muli %scan3A_435, %mul3A_444 : i32
      %swap3A_446 = arith.index_cast %mul3A_445 : i32 to index
      %swap3A_447 = tpu.vector_load %arg9[%swap3A_446] {strides = array<i32>} : memref<12800xf32, #tpu.memory_space<vmem>>, vector<16xf32>,
      %swap3A_448 = vector.shape_cast %swap3A_447 : vector<16xf32> to vector<16xf32>
      %swap3A_449 = vector.shape_cast %mul3A_443 : vector<16xf32> to vector<16xf32>
      tpu.vector_store %arg9[%swap3A_446], %swap3A_449 {strides = array<i32>} : memref<12800xf32, #tpu.memory_space<vmem>>, vector<16xf32>,
      %scan3A_450 = arith.constant 0 : i32
      %scan3A_451 = arith.constant 5 : i32
      %scan3A_452 = arith.addi %scan3A_366, %scan3A_451 : i32
      %mul3A_453 = arith.constant 16 : i32
      %mul3A_454 = arith.muli %scan3A_452, %mul3A_453 : i32
      %get3A_455 = arith.index_cast %mul3A_454 : i32 to index
      %get3A_456 = tpu.vector_load %arg9[%get3A_455] {strides = array<i32>} : memref<12800xf32, #tpu.memory_space<vmem>>, vector<16xf32>,
      %get3A_457 = vector.shape_cast %get3A_456 : vector<16xf32> to vector<16xf32>
      %sub3A_458 = arith.subf %get3A_457, %get3A_11 : vector<16xf32>
      %exp3A_459 = math.exp %sub3A_458 : vector<16xf32>
      %mul3A_460 = arith.mulf %exp3A_459, %div3A_18 : vector<16xf32>
      %mul3A_461 = arith.constant 16 : i32
      %mul3A_462 = arith.muli %scan3A_452, %mul3A_461 : i32
      %swap3A_463 = arith.index_cast %mul3A_462 : i32 to index
      %swap3A_464 = tpu.vector_load %arg9[%swap3A_463] {strides = array<i32>} : memref<12800xf32, #tpu.memory_space<vmem>>, vector<16xf32>,
      %swap3A_465 = vector.shape_cast %swap3A_464 : vector<16xf32> to vector<16xf32>
      %swap3A_466 = vector.shape_cast %mul3A_460 : vector<16xf32> to vector<16xf32>
      tpu.vector_store %arg9[%swap3A_463], %swap3A_466 {strides = array<i32>} : memref<12800xf32, #tpu.memory_space<vmem>>, vector<16xf32>,
      %scan3A_467 = arith.constant 0 : i32
      %scan3A_468 = arith.constant 6 : i32
      %scan3A_469 = arith.addi %scan3A_366, %scan3A_468 : i32
      %mul3A_470 = arith.constant 16 : i32
      %mul3A_471 = arith.muli %scan3A_469, %mul3A_470 : i32
      %get3A_472 = arith.index_cast %mul3A_471 : i32 to index
      %get3A_473 = tpu.vector_load %arg9[%get3A_472] {strides = array<i32>} : memref<12800xf32, #tpu.memory_space<vmem>>, vector<16xf32>,
      %get3A_474 = vector.shape_cast %get3A_473 : vector<16xf32> to vector<16xf32>
      %sub3A_475 = arith.subf %get3A_474, %get3A_11 : vector<16xf32>
      %exp3A_476 = math.exp %sub3A_475 : vector<16xf32>
      %mul3A_477 = arith.mulf %exp3A_476, %div3A_18 : vector<16xf32>
      %mul3A_478 = arith.constant 16 : i32
      %mul3A_479 = arith.muli %scan3A_469, %mul3A_478 : i32
      %swap3A_480 = arith.index_cast %mul3A_479 : i32 to index
      %swap3A_481 = tpu.vector_load %arg9[%swap3A_480] {strides = array<i32>} : memref<12800xf32, #tpu.memory_space<vmem>>, vector<16xf32>,
      %swap3A_482 = vector.shape_cast %swap3A_481 : vector<16xf32> to vector<16xf32>
      %swap3A_483 = vector.shape_cast %mul3A_477 : vector<16xf32> to vector<16xf32>
      tpu.vector_store %arg9[%swap3A_480], %swap3A_483 {strides = array<i32>} : memref<12800xf32, #tpu.memory_space<vmem>>, vector<16xf32>,
      %scan3A_484 = arith.constant 0 : i32
      %scan3A_485 = arith.constant 7 : i32
      %scan3A_486 = arith.addi %scan3A_366, %scan3A_485 : i32
      %mul3A_487 = arith.constant 16 : i32
      %mul3A_488 = arith.muli %scan3A_486, %mul3A_487 : i32
      %get3A_489 = arith.index_cast %mul3A_488 : i32 to index
      %get3A_490 = tpu.vector_load %arg9[%get3A_489] {strides = array<i32>} : memref<12800xf32, #tpu.memory_space<vmem>>, vector<16xf32>,
      %get3A_491 = vector.shape_cast %get3A_490 : vector<16xf32> to vector<16xf32>
      %sub3A_492 = arith.subf %get3A_491, %get3A_11 : vector<16xf32>
      %exp3A_493 = math.exp %sub3A_492 : vector<16xf32>
      %mul3A_494 = arith.mulf %exp3A_493, %div3A_18 : vector<16xf32>
      %mul3A_495 = arith.constant 16 : i32
      %mul3A_496 = arith.muli %scan3A_486, %mul3A_495 : i32
      %swap3A_497 = arith.index_cast %mul3A_496 : i32 to index
      %swap3A_498 = tpu.vector_load %arg9[%swap3A_497] {strides = array<i32>} : memref<12800xf32, #tpu.memory_space<vmem>>, vector<16xf32>,
      %swap3A_499 = vector.shape_cast %swap3A_498 : vector<16xf32> to vector<16xf32>
      %swap3A_500 = vector.shape_cast %mul3A_494 : vector<16xf32> to vector<16xf32>
      tpu.vector_store %arg9[%swap3A_497], %swap3A_500 {strides = array<i32>} : memref<12800xf32, #tpu.memory_space<vmem>>, vector<16xf32>,
      %scan3A_501 = arith.constant 0 : i32
      scf.yield %scan3A_501 : i32
    }
    %scan3A_155 = arith.constant 800 : i32
    %add3A_156 = arith.constant 38400 : i32
    %add3A_157 = arith.addi %multiple_of3A, %add3A_156 : i32
    %dma_start3A_158 = arith.constant 0 : i32
    %dma_start3A_159 = tpu.memref_slice %arg9[%dma_start3A_158] : memref<12800xf32, #tpu.memory_space<vmem>> -> memref<12800xf32, #tpu.memory_space<vmem>>
    %dma_start3A_160 = tpu.memref_slice %arg11[%add3A_157] : memref<1000000xf32, #tpu.memory_space<vmem_shared>> -> memref<12800xf32, #tpu.memory_space<vmem_shared>>
    %dma_start3A_161 = tpu.memref_slice %arg11[%add3A_157] : memref<1000000xf32, #tpu.memory_space<vmem_shared>> -> memref<12800xf32, #tpu.memory_space<vmem_shared>>
    %dma_start3A_162 = arith.constant 0 : i32
    %dma_start3A_163 = tpu.memref_slice %arg9[%dma_start3A_162] : memref<12800xf32, #tpu.memory_space<vmem>> -> memref<12800xf32, #tpu.memory_space<vmem>>
    tpu.enqueue_dma source(%dma_start3A_163 : memref<12800xf32, #tpu.memory_space<vmem>>) target(%dma_start3A_161 : memref<12800xf32, #tpu.memory_space<vmem_shared>>) target_semaphore(%arg17 : memref<!tpu.dma_semaphore, #tpu.memory_space<semaphore_mem>>)
    %dma_wait3A_164 = arith.constant 0 : i32
    %dma_wait3A_165 = tpu.memref_slice %arg8[%dma_wait3A_164] : memref<12800xf32, #tpu.memory_space<vmem>> -> memref<11304xf32, #tpu.memory_space<vmem>>
    %dma_wait3A_166 = tpu.memref_slice %arg2[%add3A_142] : memref<1000000xf32, #tpu.memory_space<hbm>> -> memref<11304xf32, #tpu.memory_space<hbm>>
    %dma_wait3A_167 = arith.constant 0 : i32
    %dma_wait3A_168 = tpu.memref_slice %arg8[%dma_wait3A_167] : memref<12800xf32, #tpu.memory_space<vmem>> -> memref<11304xf32, #tpu.memory_space<vmem>>
    %dma_wait3A_169 = tpu.memref_slice %arg2[%add3A_142] : memref<1000000xf32, #tpu.memory_space<hbm>> -> memref<11304xf32, #tpu.memory_space<hbm>>
    tpu.wait_dma2 semaphore(%arg14 : memref<!tpu.dma_semaphore, #tpu.memory_space<semaphore_mem>>) src(%dma_wait3A_169 : memref<11304xf32, #tpu.memory_space<hbm>>) dst(%dma_wait3A_168 : memref<11304xf32, #tpu.memory_space<vmem>>)
    %scan3A_170 = arith.constant 0 : i32
    %scan3A_171 = arith.constant 0 : i32
    %scan3A_172 = arith.constant 704 : i32
    %scan3A_173 = arith.addi %scan3A_171, %scan3A_172 : i32
    %scan3A_174 = arith.constant 8 : i32
    %scan3A_175 = scf.for %scan3A_366 = %scan3A_171 to %scan3A_173 step %scan3A_174 iter_args(%scan3A_367 = %scan3A_170) -> (i32)  : i32 {
      %mul3A_368 = arith.constant 16 : i32
      %mul3A_369 = arith.muli %scan3A_366, %mul3A_368 : i32
      %get3A_370 = arith.index_cast %mul3A_369 : i32 to index
      %get3A_371 = tpu.vector_load %arg8[%get3A_370] {strides = array<i32>} : memref<12800xf32, #tpu.memory_space<vmem>>, vector<16xf32>,
      %get3A_372 = vector.shape_cast %get3A_371 : vector<16xf32> to vector<16xf32>
      %sub3A_373 = arith.subf %get3A_372, %get3A_11 : vector<16xf32>
      %exp3A_374 = math.exp %sub3A_373 : vector<16xf32>
      %mul3A_375 = arith.mulf %exp3A_374, %div3A_18 : vector<16xf32>
      %mul3A_376 = arith.constant 16 : i32
      %mul3A_377 = arith.muli %scan3A_366, %mul3A_376 : i32
      %swap3A_378 = arith.index_cast %mul3A_377 : i32 to index
      %swap3A_379 = tpu.vector_load %arg8[%swap3A_378] {strides = array<i32>} : memref<12800xf32, #tpu.memory_space<vmem>>, vector<16xf32>,
      %swap3A_380 = vector.shape_cast %swap3A_379 : vector<16xf32> to vector<16xf32>
      %swap3A_381 = vector.shape_cast %mul3A_375 : vector<16xf32> to vector<16xf32>
      tpu.vector_store %arg8[%swap3A_378], %swap3A_381 {strides = array<i32>} : memref<12800xf32, #tpu.memory_space<vmem>>, vector<16xf32>,
      %scan3A_382 = arith.constant 0 : i32
      %scan3A_383 = arith.constant 1 : i32
      %scan3A_384 = arith.addi %scan3A_366, %scan3A_383 : i32
      %mul3A_385 = arith.constant 16 : i32
      %mul3A_386 = arith.muli %scan3A_384, %mul3A_385 : i32
      %get3A_387 = arith.index_cast %mul3A_386 : i32 to index
      %get3A_388 = tpu.vector_load %arg8[%get3A_387] {strides = array<i32>} : memref<12800xf32, #tpu.memory_space<vmem>>, vector<16xf32>,
      %get3A_389 = vector.shape_cast %get3A_388 : vector<16xf32> to vector<16xf32>
      %sub3A_390 = arith.subf %get3A_389, %get3A_11 : vector<16xf32>
      %exp3A_391 = math.exp %sub3A_390 : vector<16xf32>
      %mul3A_392 = arith.mulf %exp3A_391, %div3A_18 : vector<16xf32>
      %mul3A_393 = arith.constant 16 : i32
      %mul3A_394 = arith.muli %scan3A_384, %mul3A_393 : i32
      %swap3A_395 = arith.index_cast %mul3A_394 : i32 to index
      %swap3A_396 = tpu.vector_load %arg8[%swap3A_395] {strides = array<i32>} : memref<12800xf32, #tpu.memory_space<vmem>>, vector<16xf32>,
      %swap3A_397 = vector.shape_cast %swap3A_396 : vector<16xf32> to vector<16xf32>
      %swap3A_398 = vector.shape_cast %mul3A_392 : vector<16xf32> to vector<16xf32>
      tpu.vector_store %arg8[%swap3A_395], %swap3A_398 {strides = array<i32>} : memref<12800xf32, #tpu.memory_space<vmem>>, vector<16xf32>,
      %scan3A_399 = arith.constant 0 : i32
      %scan3A_400 = arith.constant 2 : i32
      %scan3A_401 = arith.addi %scan3A_366, %scan3A_400 : i32
      %mul3A_402 = arith.constant 16 : i32
      %mul3A_403 = arith.muli %scan3A_401, %mul3A_402 : i32
      %get3A_404 = arith.index_cast %mul3A_403 : i32 to index
      %get3A_405 = tpu.vector_load %arg8[%get3A_404] {strides = array<i32>} : memref<12800xf32, #tpu.memory_space<vmem>>, vector<16xf32>,
      %get3A_406 = vector.shape_cast %get3A_405 : vector<16xf32> to vector<16xf32>
      %sub3A_407 = arith.subf %get3A_406, %get3A_11 : vector<16xf32>
      %exp3A_408 = math.exp %sub3A_407 : vector<16xf32>
      %mul3A_409 = arith.mulf %exp3A_408, %div3A_18 : vector<16xf32>
      %mul3A_410 = arith.constant 16 : i32
      %mul3A_411 = arith.muli %scan3A_401, %mul3A_410 : i32
      %swap3A_412 = arith.index_cast %mul3A_411 : i32 to index
      %swap3A_413 = tpu.vector_load %arg8[%swap3A_412] {strides = array<i32>} : memref<12800xf32, #tpu.memory_space<vmem>>, vector<16xf32>,
      %swap3A_414 = vector.shape_cast %swap3A_413 : vector<16xf32> to vector<16xf32>
      %swap3A_415 = vector.shape_cast %mul3A_409 : vector<16xf32> to vector<16xf32>
      tpu.vector_store %arg8[%swap3A_412], %swap3A_415 {strides = array<i32>} : memref<12800xf32, #tpu.memory_space<vmem>>, vector<16xf32>,
      %scan3A_416 = arith.constant 0 : i32
      %scan3A_417 = arith.constant 3 : i32
      %scan3A_418 = arith.addi %scan3A_366, %scan3A_417 : i32
      %mul3A_419 = arith.constant 16 : i32
      %mul3A_420 = arith.muli %scan3A_418, %mul3A_419 : i32
      %get3A_421 = arith.index_cast %mul3A_420 : i32 to index
      %get3A_422 = tpu.vector_load %arg8[%get3A_421] {strides = array<i32>} : memref<12800xf32, #tpu.memory_space<vmem>>, vector<16xf32>,
      %get3A_423 = vector.shape_cast %get3A_422 : vector<16xf32> to vector<16xf32>
      %sub3A_424 = arith.subf %get3A_423, %get3A_11 : vector<16xf32>
      %exp3A_425 = math.exp %sub3A_424 : vector<16xf32>
      %mul3A_426 = arith.mulf %exp3A_425, %div3A_18 : vector<16xf32>
      %mul3A_427 = arith.constant 16 : i32
      %mul3A_428 = arith.muli %scan3A_418, %mul3A_427 : i32
      %swap3A_429 = arith.index_cast %mul3A_428 : i32 to index
      %swap3A_430 = tpu.vector_load %arg8[%swap3A_429] {strides = array<i32>} : memref<12800xf32, #tpu.memory_space<vmem>>, vector<16xf32>,
      %swap3A_431 = vector.shape_cast %swap3A_430 : vector<16xf32> to vector<16xf32>
      %swap3A_432 = vector.shape_cast %mul3A_426 : vector<16xf32> to vector<16xf32>
      tpu.vector_store %arg8[%swap3A_429], %swap3A_432 {strides = array<i32>} : memref<12800xf32, #tpu.memory_space<vmem>>, vector<16xf32>,
      %scan3A_433 = arith.constant 0 : i32
      %scan3A_434 = arith.constant 4 : i32
      %scan3A_435 = arith.addi %scan3A_366, %scan3A_434 : i32
      %mul3A_436 = arith.constant 16 : i32
      %mul3A_437 = arith.muli %scan3A_435, %mul3A_436 : i32
      %get3A_438 = arith.index_cast %mul3A_437 : i32 to index
      %get3A_439 = tpu.vector_load %arg8[%get3A_438] {strides = array<i32>} : memref<12800xf32, #tpu.memory_space<vmem>>, vector<16xf32>,
      %get3A_440 = vector.shape_cast %get3A_439 : vector<16xf32> to vector<16xf32>
      %sub3A_441 = arith.subf %get3A_440, %get3A_11 : vector<16xf32>
      %exp3A_442 = math.exp %sub3A_441 : vector<16xf32>
      %mul3A_443 = arith.mulf %exp3A_442, %div3A_18 : vector<16xf32>
      %mul3A_444 = arith.constant 16 : i32
      %mul3A_445 = arith.muli %scan3A_435, %mul3A_444 : i32
      %swap3A_446 = arith.index_cast %mul3A_445 : i32 to index
      %swap3A_447 = tpu.vector_load %arg8[%swap3A_446] {strides = array<i32>} : memref<12800xf32, #tpu.memory_space<vmem>>, vector<16xf32>,
      %swap3A_448 = vector.shape_cast %swap3A_447 : vector<16xf32> to vector<16xf32>
      %swap3A_449 = vector.shape_cast %mul3A_443 : vector<16xf32> to vector<16xf32>
      tpu.vector_store %arg8[%swap3A_446], %swap3A_449 {strides = array<i32>} : memref<12800xf32, #tpu.memory_space<vmem>>, vector<16xf32>,
      %scan3A_450 = arith.constant 0 : i32
      %scan3A_451 = arith.constant 5 : i32
      %scan3A_452 = arith.addi %scan3A_366, %scan3A_451 : i32
      %mul3A_453 = arith.constant 16 : i32
      %mul3A_454 = arith.muli %scan3A_452, %mul3A_453 : i32
      %get3A_455 = arith.index_cast %mul3A_454 : i32 to index
      %get3A_456 = tpu.vector_load %arg8[%get3A_455] {strides = array<i32>} : memref<12800xf32, #tpu.memory_space<vmem>>, vector<16xf32>,
      %get3A_457 = vector.shape_cast %get3A_456 : vector<16xf32> to vector<16xf32>
      %sub3A_458 = arith.subf %get3A_457, %get3A_11 : vector<16xf32>
      %exp3A_459 = math.exp %sub3A_458 : vector<16xf32>
      %mul3A_460 = arith.mulf %exp3A_459, %div3A_18 : vector<16xf32>
      %mul3A_461 = arith.constant 16 : i32
      %mul3A_462 = arith.muli %scan3A_452, %mul3A_461 : i32
      %swap3A_463 = arith.index_cast %mul3A_462 : i32 to index
      %swap3A_464 = tpu.vector_load %arg8[%swap3A_463] {strides = array<i32>} : memref<12800xf32, #tpu.memory_space<vmem>>, vector<16xf32>,
      %swap3A_465 = vector.shape_cast %swap3A_464 : vector<16xf32> to vector<16xf32>
      %swap3A_466 = vector.shape_cast %mul3A_460 : vector<16xf32> to vector<16xf32>
      tpu.vector_store %arg8[%swap3A_463], %swap3A_466 {strides = array<i32>} : memref<12800xf32, #tpu.memory_space<vmem>>, vector<16xf32>,
      %scan3A_467 = arith.constant 0 : i32
      %scan3A_468 = arith.constant 6 : i32
      %scan3A_469 = arith.addi %scan3A_366, %scan3A_468 : i32
      %mul3A_470 = arith.constant 16 : i32
      %mul3A_471 = arith.muli %scan3A_469, %mul3A_470 : i32
      %get3A_472 = arith.index_cast %mul3A_471 : i32 to index
      %get3A_473 = tpu.vector_load %arg8[%get3A_472] {strides = array<i32>} : memref<12800xf32, #tpu.memory_space<vmem>>, vector<16xf32>,
      %get3A_474 = vector.shape_cast %get3A_473 : vector<16xf32> to vector<16xf32>
      %sub3A_475 = arith.subf %get3A_474, %get3A_11 : vector<16xf32>
      %exp3A_476 = math.exp %sub3A_475 : vector<16xf32>
      %mul3A_477 = arith.mulf %exp3A_476, %div3A_18 : vector<16xf32>
      %mul3A_478 = arith.constant 16 : i32
      %mul3A_479 = arith.muli %scan3A_469, %mul3A_478 : i32
      %swap3A_480 = arith.index_cast %mul3A_479 : i32 to index
      %swap3A_481 = tpu.vector_load %arg8[%swap3A_480] {strides = array<i32>} : memref<12800xf32, #tpu.memory_space<vmem>>, vector<16xf32>,
      %swap3A_482 = vector.shape_cast %swap3A_481 : vector<16xf32> to vector<16xf32>
      %swap3A_483 = vector.shape_cast %mul3A_477 : vector<16xf32> to vector<16xf32>
      tpu.vector_store %arg8[%swap3A_480], %swap3A_483 {strides = array<i32>} : memref<12800xf32, #tpu.memory_space<vmem>>, vector<16xf32>,
      %scan3A_484 = arith.constant 0 : i32
      %scan3A_485 = arith.constant 7 : i32
      %scan3A_486 = arith.addi %scan3A_366, %scan3A_485 : i32
      %mul3A_487 = arith.constant 16 : i32
      %mul3A_488 = arith.muli %scan3A_486, %mul3A_487 : i32
      %get3A_489 = arith.index_cast %mul3A_488 : i32 to index
      %get3A_490 = tpu.vector_load %arg8[%get3A_489] {strides = array<i32>} : memref<12800xf32, #tpu.memory_space<vmem>>, vector<16xf32>,
      %get3A_491 = vector.shape_cast %get3A_490 : vector<16xf32> to vector<16xf32>
      %sub3A_492 = arith.subf %get3A_491, %get3A_11 : vector<16xf32>
      %exp3A_493 = math.exp %sub3A_492 : vector<16xf32>
      %mul3A_494 = arith.mulf %exp3A_493, %div3A_18 : vector<16xf32>
      %mul3A_495 = arith.constant 16 : i32
      %mul3A_496 = arith.muli %scan3A_486, %mul3A_495 : i32
      %swap3A_497 = arith.index_cast %mul3A_496 : i32 to index
      %swap3A_498 = tpu.vector_load %arg8[%swap3A_497] {strides = array<i32>} : memref<12800xf32, #tpu.memory_space<vmem>>, vector<16xf32>,
      %swap3A_499 = vector.shape_cast %swap3A_498 : vector<16xf32> to vector<16xf32>
      %swap3A_500 = vector.shape_cast %mul3A_494 : vector<16xf32> to vector<16xf32>
      tpu.vector_store %arg8[%swap3A_497], %swap3A_500 {strides = array<i32>} : memref<12800xf32, #tpu.memory_space<vmem>>, vector<16xf32>,
      %scan3A_501 = arith.constant 0 : i32
      scf.yield %scan3A_501 : i32
    }
    %scan3A_176 = arith.constant 704 : i32
    %scan3A_177 = arith.addi %scan3A_171, %scan3A_176 : i32
    %mul3A_178 = arith.constant 16 : i32
    %mul3A_179 = arith.muli %scan3A_177, %mul3A_178 : i32
    %get3A_180 = arith.index_cast %mul3A_179 : i32 to index
    %get3A_181 = tpu.vector_load %arg8[%get3A_180] {strides = array<i32>} : memref<12800xf32, #tpu.memory_space<vmem>>, vector<16xf32>,
    %get3A_182 = vector.shape_cast %get3A_181 : vector<16xf32> to vector<16xf32>
    %sub3A_183 = arith.subf %get3A_182, %get3A_11 : vector<16xf32>
    %exp3A = math.exp %sub3A_183 : vector<16xf32>
    %mul3A_184 = arith.mulf %exp3A, %div3A_18 : vector<16xf32>
    %mul3A_185 = arith.constant 16 : i32
    %mul3A_186 = arith.muli %scan3A_177, %mul3A_185 : i32
    %swap3A = arith.index_cast %mul3A_186 : i32 to index
    %swap3A_187 = tpu.vector_load %arg8[%swap3A] {strides = array<i32>} : memref<12800xf32, #tpu.memory_space<vmem>>, vector<16xf32>,
    %swap3A_188 = vector.shape_cast %swap3A_187 : vector<16xf32> to vector<16xf32>
    %swap3A_189 = vector.shape_cast %mul3A_184 : vector<16xf32> to vector<16xf32>
    tpu.vector_store %arg8[%swap3A], %swap3A_189 {strides = array<i32>} : memref<12800xf32, #tpu.memory_space<vmem>>, vector<16xf32>,
    %scan3A_190 = arith.constant 0 : i32
    %scan3A_191 = arith.constant 705 : i32
    %scan3A_192 = arith.addi %scan3A_171, %scan3A_191 : i32
    %mul3A_193 = arith.constant 16 : i32
    %mul3A_194 = arith.muli %scan3A_192, %mul3A_193 : i32
    %get3A_195 = arith.index_cast %mul3A_194 : i32 to index
    %get3A_196 = tpu.vector_load %arg8[%get3A_195] {strides = array<i32>} : memref<12800xf32, #tpu.memory_space<vmem>>, vector<16xf32>,
    %get3A_197 = vector.shape_cast %get3A_196 : vector<16xf32> to vector<16xf32>
    %sub3A_198 = arith.subf %get3A_197, %get3A_11 : vector<16xf32>
    %exp3A_199 = math.exp %sub3A_198 : vector<16xf32>
    %mul3A_200 = arith.mulf %exp3A_199, %div3A_18 : vector<16xf32>
    %mul3A_201 = arith.constant 16 : i32
    %mul3A_202 = arith.muli %scan3A_192, %mul3A_201 : i32
    %swap3A_203 = arith.index_cast %mul3A_202 : i32 to index
    %swap3A_204 = tpu.vector_load %arg8[%swap3A_203] {strides = array<i32>} : memref<12800xf32, #tpu.memory_space<vmem>>, vector<16xf32>,
    %swap3A_205 = vector.shape_cast %swap3A_204 : vector<16xf32> to vector<16xf32>
    %swap3A_206 = vector.shape_cast %mul3A_200 : vector<16xf32> to vector<16xf32>
    tpu.vector_store %arg8[%swap3A_203], %swap3A_206 {strides = array<i32>} : memref<12800xf32, #tpu.memory_space<vmem>>, vector<16xf32>,
    %scan3A_207 = arith.constant 0 : i32
    %scan3A_208 = arith.constant 706 : i32
    %scan3A_209 = arith.addi %scan3A_171, %scan3A_208 : i32
    %mul3A_210 = arith.constant 16 : i32
    %mul3A_211 = arith.muli %scan3A_209, %mul3A_210 : i32
    %get3A_212 = arith.index_cast %mul3A_211 : i32 to index
    %get3A_213 = tpu.vector_load %arg8[%get3A_212] {strides = array<i32>} : memref<12800xf32, #tpu.memory_space<vmem>>, vector<16xf32>,
    %get3A_214 = vector.shape_cast %get3A_213 : vector<16xf32> to vector<16xf32>
    %sub3A_215 = arith.subf %get3A_214, %get3A_11 : vector<16xf32>
    %exp3A_216 = math.exp %sub3A_215 : vector<16xf32>
    %mul3A_217 = arith.mulf %exp3A_216, %div3A_18 : vector<16xf32>
    %mul3A_218 = arith.constant 16 : i32
    %mul3A_219 = arith.muli %scan3A_209, %mul3A_218 : i32
    %swap3A_220 = arith.index_cast %mul3A_219 : i32 to index
    %swap3A_221 = tpu.vector_load %arg8[%swap3A_220] {strides = array<i32>} : memref<12800xf32, #tpu.memory_space<vmem>>, vector<16xf32>,
    %swap3A_222 = vector.shape_cast %swap3A_221 : vector<16xf32> to vector<16xf32>
    %swap3A_223 = vector.shape_cast %mul3A_217 : vector<16xf32> to vector<16xf32>
    tpu.vector_store %arg8[%swap3A_220], %swap3A_223 {strides = array<i32>} : memref<12800xf32, #tpu.memory_space<vmem>>, vector<16xf32>,
    %scan3A_224 = arith.constant 0 : i32
    %scan3A_225 = arith.constant 707 : i32
    %add3A_226 = arith.constant 51200 : i32
    %add3A_227 = arith.addi %multiple_of3A, %add3A_226 : i32
    %dma_start3A_228 = arith.constant 0 : i32
    %dma_start3A_229 = tpu.memref_slice %arg8[%dma_start3A_228] : memref<12800xf32, #tpu.memory_space<vmem>> -> memref<11304xf32, #tpu.memory_space<vmem>>
    %dma_start3A_230 = tpu.memref_slice %arg11[%add3A_227] : memref<1000000xf32, #tpu.memory_space<vmem_shared>> -> memref<11304xf32, #tpu.memory_space<vmem_shared>>
    %dma_start3A_231 = tpu.memref_slice %arg11[%add3A_227] : memref<1000000xf32, #tpu.memory_space<vmem_shared>> -> memref<11304xf32, #tpu.memory_space<vmem_shared>>
    %dma_start3A_232 = arith.constant 0 : i32
    %dma_start3A_233 = tpu.memref_slice %arg8[%dma_start3A_232] : memref<12800xf32, #tpu.memory_space<vmem>> -> memref<11304xf32, #tpu.memory_space<vmem>>
    tpu.enqueue_dma source(%dma_start3A_233 : memref<11304xf32, #tpu.memory_space<vmem>>) target(%dma_start3A_231 : memref<11304xf32, #tpu.memory_space<vmem_shared>>) target_semaphore(%arg16 : memref<!tpu.dma_semaphore, #tpu.memory_space<semaphore_mem>>)
    %dma_wait3A_234 = arith.constant 0 : i32
    %dma_wait3A_235 = tpu.memref_slice %arg8[%dma_wait3A_234] : memref<12800xf32, #tpu.memory_space<vmem>> -> memref<11304xf32, #tpu.memory_space<vmem>>
    %dma_wait3A_236 = tpu.memref_slice %arg11[%add3A_227] : memref<1000000xf32, #tpu.memory_space<vmem_shared>> -> memref<11304xf32, #tpu.memory_space<vmem_shared>>
    %dma_wait3A_237 = tpu.memref_slice %arg11[%add3A_227] : memref<1000000xf32, #tpu.memory_space<vmem_shared>> -> memref<11304xf32, #tpu.memory_space<vmem_shared>>
    %dma_wait3A_238 = arith.constant 0 : i32
    %dma_wait3A_239 = tpu.memref_slice %arg8[%dma_wait3A_238] : memref<12800xf32, #tpu.memory_space<vmem>> -> memref<11304xf32, #tpu.memory_space<vmem>>
    tpu.wait_dma2 semaphore(%arg16 : memref<!tpu.dma_semaphore, #tpu.memory_space<semaphore_mem>>) src(%dma_wait3A_239 : memref<11304xf32, #tpu.memory_space<vmem>>) dst(%dma_wait3A_237 : memref<11304xf32, #tpu.memory_space<vmem_shared>>)
    %dma_wait3A_240 = arith.constant 0 : i32
    %dma_wait3A_241 = tpu.memref_slice %arg9[%dma_wait3A_240] : memref<12800xf32, #tpu.memory_space<vmem>> -> memref<12800xf32, #tpu.memory_space<vmem>>
    %dma_wait3A_242 = tpu.memref_slice %arg11[%add3A_157] : memref<1000000xf32, #tpu.memory_space<vmem_shared>> -> memref<12800xf32, #tpu.memory_space<vmem_shared>>
    %dma_wait3A_243 = tpu.memref_slice %arg11[%add3A_157] : memref<1000000xf32, #tpu.memory_space<vmem_shared>> -> memref<12800xf32, #tpu.memory_space<vmem_shared>>
    %dma_wait3A_244 = arith.constant 0 : i32
    %dma_wait3A_245 = tpu.memref_slice %arg9[%dma_wait3A_244] : memref<12800xf32, #tpu.memory_space<vmem>> -> memref<12800xf32, #tpu.memory_space<vmem>>
    tpu.wait_dma2 semaphore(%arg17 : memref<!tpu.dma_semaphore, #tpu.memory_space<semaphore_mem>>) src(%dma_wait3A_245 : memref<12800xf32, #tpu.memory_space<vmem>>) dst(%dma_wait3A_243 : memref<12800xf32, #tpu.memory_space<vmem_shared>>)
    %barrier3A = arith.constant 0 : index
    tpu.barrier barrier_id(%barrier3A)
    %dma_wait3A_246 = tpu.memref_slice %arg4[%mul3A_2] : memref<3276800xi32, #tpu.memory_space<hbm>> -> memref<12800xi32, #tpu.memory_space<hbm>>
    %dma_wait3A_247 = tpu.memref_slice %arg4[%mul3A_2] : memref<3276800xi32, #tpu.memory_space<hbm>> -> memref<12800xi32, #tpu.memory_space<hbm>>
    tpu.wait_dma2 semaphore(%arg12 : memref<!tpu.dma_semaphore, #tpu.memory_space<semaphore_mem>>) src(%dma_wait3A_247 : memref<12800xi32, #tpu.memory_space<hbm>>) dst(%arg6 : memref<12800xi32, #tpu.memory_space<vmem>>)
    %dma_start3A_248 = arith.constant 0 : i32
    %dma_start3A_249 = tpu.memref_slice %arg11[%dma_start3A_248] : memref<1000000xf32, #tpu.memory_space<vmem_shared>> -> memref<1000000xf32, #tpu.memory_space<vmem_shared>>
    tpu.enqueue_indirect_dma source(%dma_start3A_249 : memref<1000000xf32, #tpu.memory_space<vmem_shared>>) target(%arg8 : memref<12800xf32, #tpu.memory_space<vmem>>) offsets(%arg6 : memref<12800xi32, #tpu.memory_space<vmem>>) semaphore(%arg14 : memref<!tpu.dma_semaphore, #tpu.memory_space<semaphore_mem>>)
    %dma_wait3A_250 = tpu.memref_slice %arg4[%add3A_5] : memref<3276800xi32, #tpu.memory_space<hbm>> -> memref<12800xi32, #tpu.memory_space<hbm>>
    %dma_wait3A_251 = tpu.memref_slice %arg4[%add3A_5] : memref<3276800xi32, #tpu.memory_space<hbm>> -> memref<12800xi32, #tpu.memory_space<hbm>>
    tpu.wait_dma2 semaphore(%arg13 : memref<!tpu.dma_semaphore, #tpu.memory_space<semaphore_mem>>) src(%dma_wait3A_251 : memref<12800xi32, #tpu.memory_space<hbm>>) dst(%arg7 : memref<12800xi32, #tpu.memory_space<vmem>>)
    %dma_start3A_252 = arith.constant 0 : i32
    %dma_start3A_253 = tpu.memref_slice %arg11[%dma_start3A_252] : memref<1000000xf32, #tpu.memory_space<vmem_shared>> -> memref<1000000xf32, #tpu.memory_space<vmem_shared>>
    tpu.enqueue_indirect_dma source(%dma_start3A_253 : memref<1000000xf32, #tpu.memory_space<vmem_shared>>) target(%arg9 : memref<12800xf32, #tpu.memory_space<vmem>>) offsets(%arg7 : memref<12800xi32, #tpu.memory_space<vmem>>) semaphore(%arg15 : memref<!tpu.dma_semaphore, #tpu.memory_space<semaphore_mem>>)
    %dma_wait3A_254 = arith.constant 0 : i32
    %dma_wait3A_255 = tpu.memref_slice %arg11[%dma_wait3A_254] : memref<1000000xf32, #tpu.memory_space<vmem_shared>> -> memref<1000000xf32, #tpu.memory_space<vmem_shared>>
    tpu.wait_indirect_dma semaphore(%arg14 : memref<!tpu.dma_semaphore, #tpu.memory_space<semaphore_mem>>) src(%dma_wait3A_255 : memref<1000000xf32, #tpu.memory_space<vmem_shared>>) dst(%arg8 : memref<12800xf32, #tpu.memory_space<vmem>>)
    %add3A_256 = arith.constant 25600 : i32
    %add3A_257 = arith.addi %mul3A_2, %add3A_256 : i32
    %dma_start3A_258 = tpu.memref_slice %arg4[%add3A_257] : memref<3276800xi32, #tpu.memory_space<hbm>> -> memref<12800xi32, #tpu.memory_space<hbm>>
    %dma_start3A_259 = tpu.memref_slice %arg4[%add3A_257] : memref<3276800xi32, #tpu.memory_space<hbm>> -> memref<12800xi32, #tpu.memory_space<hbm>>
    tpu.enqueue_dma source(%dma_start3A_259 : memref<12800xi32, #tpu.memory_space<hbm>>) target(%arg6 : memref<12800xi32, #tpu.memory_space<vmem>>) target_semaphore(%arg12 : memref<!tpu.dma_semaphore, #tpu.memory_space<semaphore_mem>>)
    %add3A_260 = arith.constant 0 : i32
    %add3A_261 = arith.addi %mul3A_2, %add3A_260 : i32
    %dma_start3A_262 = tpu.memref_slice %arg5[%add3A_261] : memref<3276800xf32, #tpu.memory_space<hbm>> -> memref<12800xf32, #tpu.memory_space<hbm>>
    %dma_start3A_263 = tpu.memref_slice %arg5[%add3A_261] : memref<3276800xf32, #tpu.memory_space<hbm>> -> memref<12800xf32, #tpu.memory_space<hbm>>
    tpu.enqueue_dma source(%arg8 : memref<12800xf32, #tpu.memory_space<vmem>>) target(%dma_start3A_263 : memref<12800xf32, #tpu.memory_space<hbm>>) target_semaphore(%arg16 : memref<!tpu.dma_semaphore, #tpu.memory_space<semaphore_mem>>)
    %dma_wait3A_264 = tpu.memref_slice %arg5[%add3A_261] : memref<3276800xf32, #tpu.memory_space<hbm>> -> memref<12800xf32, #tpu.memory_space<hbm>>
    %dma_wait3A_265 = tpu.memref_slice %arg5[%add3A_261] : memref<3276800xf32, #tpu.memory_space<hbm>> -> memref<12800xf32, #tpu.memory_space<hbm>>
    tpu.wait_dma2 semaphore(%arg16 : memref<!tpu.dma_semaphore, #tpu.memory_space<semaphore_mem>>) src(%arg8 : memref<12800xf32, #tpu.memory_space<vmem>>) dst(%dma_wait3A_265 : memref<12800xf32, #tpu.memory_space<hbm>>)
    %dma_wait3A_266 = tpu.memref_slice %arg4[%add3A_257] : memref<3276800xi32, #tpu.memory_space<hbm>> -> memref<12800xi32, #tpu.memory_space<hbm>>
    %dma_wait3A_267 = tpu.memref_slice %arg4[%add3A_257] : memref<3276800xi32, #tpu.memory_space<hbm>> -> memref<12800xi32, #tpu.memory_space<hbm>>
    tpu.wait_dma2 semaphore(%arg12 : memref<!tpu.dma_semaphore, #tpu.memory_space<semaphore_mem>>) src(%dma_wait3A_267 : memref<12800xi32, #tpu.memory_space<hbm>>) dst(%arg6 : memref<12800xi32, #tpu.memory_space<vmem>>)
    %dma_start3A_268 = arith.constant 0 : i32
    %dma_start3A_269 = tpu.memref_slice %arg11[%dma_start3A_268] : memref<1000000xf32, #tpu.memory_space<vmem_shared>> -> memref<1000000xf32, #tpu.memory_space<vmem_shared>>
    tpu.enqueue_indirect_dma source(%dma_start3A_269 : memref<1000000xf32, #tpu.memory_space<vmem_shared>>) target(%arg8 : memref<12800xf32, #tpu.memory_space<vmem>>) offsets(%arg6 : memref<12800xi32, #tpu.memory_space<vmem>>) semaphore(%arg14 : memref<!tpu.dma_semaphore, #tpu.memory_space<semaphore_mem>>)
    %dma_wait3A_270 = arith.constant 0 : i32
    %dma_wait3A_271 = tpu.memref_slice %arg11[%dma_wait3A_270] : memref<1000000xf32, #tpu.memory_space<vmem_shared>> -> memref<1000000xf32, #tpu.memory_space<vmem_shared>>
    tpu.wait_indirect_dma semaphore(%arg15 : memref<!tpu.dma_semaphore, #tpu.memory_space<semaphore_mem>>) src(%dma_wait3A_271 : memref<1000000xf32, #tpu.memory_space<vmem_shared>>) dst(%arg9 : memref<12800xf32, #tpu.memory_space<vmem>>)
    %add3A_272 = arith.constant 38400 : i32
    %add3A_273 = arith.addi %mul3A_2, %add3A_272 : i32
    %dma_start3A_274 = tpu.memref_slice %arg4[%add3A_273] : memref<3276800xi32, #tpu.memory_space<hbm>> -> memref<12800xi32, #tpu.memory_space<hbm>>
    %dma_start3A_275 = tpu.memref_slice %arg4[%add3A_273] : memref<3276800xi32, #tpu.memory_space<hbm>> -> memref<12800xi32, #tpu.memory_space<hbm>>
    tpu.enqueue_dma source(%dma_start3A_275 : memref<12800xi32, #tpu.memory_space<hbm>>) target(%arg7 : memref<12800xi32, #tpu.memory_space<vmem>>) target_semaphore(%arg13 : memref<!tpu.dma_semaphore, #tpu.memory_space<semaphore_mem>>)
    %add3A_276 = arith.constant 12800 : i32
    %add3A_277 = arith.addi %mul3A_2, %add3A_276 : i32
    %dma_start3A_278 = tpu.memref_slice %arg5[%add3A_277] : memref<3276800xf32, #tpu.memory_space<hbm>> -> memref<12800xf32, #tpu.memory_space<hbm>>
    %dma_start3A_279 = tpu.memref_slice %arg5[%add3A_277] : memref<3276800xf32, #tpu.memory_space<hbm>> -> memref<12800xf32, #tpu.memory_space<hbm>>
    tpu.enqueue_dma source(%arg9 : memref<12800xf32, #tpu.memory_space<vmem>>) target(%dma_start3A_279 : memref<12800xf32, #tpu.memory_space<hbm>>) target_semaphore(%arg17 : memref<!tpu.dma_semaphore, #tpu.memory_space<semaphore_mem>>)
    %dma_wait3A_280 = tpu.memref_slice %arg5[%add3A_277] : memref<3276800xf32, #tpu.memory_space<hbm>> -> memref<12800xf32, #tpu.memory_space<hbm>>
    %dma_wait3A_281 = tpu.memref_slice %arg5[%add3A_277] : memref<3276800xf32, #tpu.memory_space<hbm>> -> memref<12800xf32, #tpu.memory_space<hbm>>
    tpu.wait_dma2 semaphore(%arg17 : memref<!tpu.dma_semaphore, #tpu.memory_space<semaphore_mem>>) src(%arg9 : memref<12800xf32, #tpu.memory_space<vmem>>) dst(%dma_wait3A_281 : memref<12800xf32, #tpu.memory_space<hbm>>)
    %dma_wait3A_282 = tpu.memref_slice %arg4[%add3A_273] : memref<3276800xi32, #tpu.memory_space<hbm>> -> memref<12800xi32, #tpu.memory_space<hbm>>
    %dma_wait3A_283 = tpu.memref_slice %arg4[%add3A_273] : memref<3276800xi32, #tpu.memory_space<hbm>> -> memref<12800xi32, #tpu.memory_space<hbm>>
    tpu.wait_dma2 semaphore(%arg13 : memref<!tpu.dma_semaphore, #tpu.memory_space<semaphore_mem>>) src(%dma_wait3A_283 : memref<12800xi32, #tpu.memory_space<hbm>>) dst(%arg7 : memref<12800xi32, #tpu.memory_space<vmem>>)
    %dma_start3A_284 = arith.constant 0 : i32
    %dma_start3A_285 = tpu.memref_slice %arg11[%dma_start3A_284] : memref<1000000xf32, #tpu.memory_space<vmem_shared>> -> memref<1000000xf32, #tpu.memory_space<vmem_shared>>
    tpu.enqueue_indirect_dma source(%dma_start3A_285 : memref<1000000xf32, #tpu.memory_space<vmem_shared>>) target(%arg9 : memref<12800xf32, #tpu.memory_space<vmem>>) offsets(%arg7 : memref<12800xi32, #tpu.memory_space<vmem>>) semaphore(%arg15 : memref<!tpu.dma_semaphore, #tpu.memory_space<semaphore_mem>>)
    %dma_wait3A_286 = arith.constant 0 : i32
    %dma_wait3A_287 = tpu.memref_slice %arg11[%dma_wait3A_286] : memref<1000000xf32, #tpu.memory_space<vmem_shared>> -> memref<1000000xf32, #tpu.memory_space<vmem_shared>>
    tpu.wait_indirect_dma semaphore(%arg14 : memref<!tpu.dma_semaphore, #tpu.memory_space<semaphore_mem>>) src(%dma_wait3A_287 : memref<1000000xf32, #tpu.memory_space<vmem_shared>>) dst(%arg8 : memref<12800xf32, #tpu.memory_space<vmem>>)
    %add3A_288 = arith.constant 51200 : i32
    %add3A_289 = arith.addi %mul3A_2, %add3A_288 : i32
    %dma_start3A_290 = tpu.memref_slice %arg4[%add3A_289] : memref<3276800xi32, #tpu.memory_space<hbm>> -> memref<12800xi32, #tpu.memory_space<hbm>>
    %dma_start3A_291 = tpu.memref_slice %arg4[%add3A_289] : memref<3276800xi32, #tpu.memory_space<hbm>> -> memref<12800xi32, #tpu.memory_space<hbm>>
    tpu.enqueue_dma source(%dma_start3A_291 : memref<12800xi32, #tpu.memory_space<hbm>>) target(%arg6 : memref<12800xi32, #tpu.memory_space<vmem>>) target_semaphore(%arg12 : memref<!tpu.dma_semaphore, #tpu.memory_space<semaphore_mem>>)
    %add3A_292 = arith.constant 25600 : i32
    %add3A_293 = arith.addi %mul3A_2, %add3A_292 : i32
    %dma_start3A_294 = tpu.memref_slice %arg5[%add3A_293] : memref<3276800xf32, #tpu.memory_space<hbm>> -> memref<12800xf32, #tpu.memory_space<hbm>>
    %dma_start3A_295 = tpu.memref_slice %arg5[%add3A_293] : memref<3276800xf32, #tpu.memory_space<hbm>> -> memref<12800xf32, #tpu.memory_space<hbm>>
    tpu.enqueue_dma source(%arg8 : memref<12800xf32, #tpu.memory_space<vmem>>) target(%dma_start3A_295 : memref<12800xf32, #tpu.memory_space<hbm>>) target_semaphore(%arg16 : memref<!tpu.dma_semaphore, #tpu.memory_space<semaphore_mem>>)
    %dma_wait3A_296 = tpu.memref_slice %arg5[%add3A_293] : memref<3276800xf32, #tpu.memory_space<hbm>> -> memref<12800xf32, #tpu.memory_space<hbm>>
    %dma_wait3A_297 = tpu.memref_slice %arg5[%add3A_293] : memref<3276800xf32, #tpu.memory_space<hbm>> -> memref<12800xf32, #tpu.memory_space<hbm>>
    tpu.wait_dma2 semaphore(%arg16 : memref<!tpu.dma_semaphore, #tpu.memory_space<semaphore_mem>>) src(%arg8 : memref<12800xf32, #tpu.memory_space<vmem>>) dst(%dma_wait3A_297 : memref<12800xf32, #tpu.memory_space<hbm>>)
    %dma_wait3A_298 = tpu.memref_slice %arg4[%add3A_289] : memref<3276800xi32, #tpu.memory_space<hbm>> -> memref<12800xi32, #tpu.memory_space<hbm>>
    %dma_wait3A_299 = tpu.memref_slice %arg4[%add3A_289] : memref<3276800xi32, #tpu.memory_space<hbm>> -> memref<12800xi32, #tpu.memory_space<hbm>>
    tpu.wait_dma2 semaphore(%arg12 : memref<!tpu.dma_semaphore, #tpu.memory_space<semaphore_mem>>) src(%dma_wait3A_299 : memref<12800xi32, #tpu.memory_space<hbm>>) dst(%arg6 : memref<12800xi32, #tpu.memory_space<vmem>>)
    %dma_start3A_300 = arith.constant 0 : i32
    %dma_start3A_301 = tpu.memref_slice %arg11[%dma_start3A_300] : memref<1000000xf32, #tpu.memory_space<vmem_shared>> -> memref<1000000xf32, #tpu.memory_space<vmem_shared>>
    tpu.enqueue_indirect_dma source(%dma_start3A_301 : memref<1000000xf32, #tpu.memory_space<vmem_shared>>) target(%arg8 : memref<12800xf32, #tpu.memory_space<vmem>>) offsets(%arg6 : memref<12800xi32, #tpu.memory_space<vmem>>) semaphore(%arg14 : memref<!tpu.dma_semaphore, #tpu.memory_space<semaphore_mem>>)
    %dma_wait3A_302 = arith.constant 0 : i32
    %dma_wait3A_303 = tpu.memref_slice %arg11[%dma_wait3A_302] : memref<1000000xf32, #tpu.memory_space<vmem_shared>> -> memref<1000000xf32, #tpu.memory_space<vmem_shared>>
    tpu.wait_indirect_dma semaphore(%arg15 : memref<!tpu.dma_semaphore, #tpu.memory_space<semaphore_mem>>) src(%dma_wait3A_303 : memref<1000000xf32, #tpu.memory_space<vmem_shared>>) dst(%arg9 : memref<12800xf32, #tpu.memory_space<vmem>>)
    %add3A_304 = arith.constant 64000 : i32
    %add3A_305 = arith.addi %mul3A_2, %add3A_304 : i32
    %dma_start3A_306 = tpu.memref_slice %arg4[%add3A_305] : memref<3276800xi32, #tpu.memory_space<hbm>> -> memref<12800xi32, #tpu.memory_space<hbm>>
    %dma_start3A_307 = tpu.memref_slice %arg4[%add3A_305] : memref<3276800xi32, #tpu.memory_space<hbm>> -> memref<12800xi32, #tpu.memory_space<hbm>>
    tpu.enqueue_dma source(%dma_start3A_307 : memref<12800xi32, #tpu.memory_space<hbm>>) target(%arg7 : memref<12800xi32, #tpu.memory_space<vmem>>) target_semaphore(%arg13 : memref<!tpu.dma_semaphore, #tpu.memory_space<semaphore_mem>>)
    %add3A_308 = arith.constant 38400 : i32
    %add3A_309 = arith.addi %mul3A_2, %add3A_308 : i32
    %dma_start3A_310 = tpu.memref_slice %arg5[%add3A_309] : memref<3276800xf32, #tpu.memory_space<hbm>> -> memref<12800xf32, #tpu.memory_space<hbm>>
    %dma_start3A_311 = tpu.memref_slice %arg5[%add3A_309] : memref<3276800xf32, #tpu.memory_space<hbm>> -> memref<12800xf32, #tpu.memory_space<hbm>>
    tpu.enqueue_dma source(%arg9 : memref<12800xf32, #tpu.memory_space<vmem>>) target(%dma_start3A_311 : memref<12800xf32, #tpu.memory_space<hbm>>) target_semaphore(%arg17 : memref<!tpu.dma_semaphore, #tpu.memory_space<semaphore_mem>>)
    %dma_wait3A_312 = tpu.memref_slice %arg5[%add3A_309] : memref<3276800xf32, #tpu.memory_space<hbm>> -> memref<12800xf32, #tpu.memory_space<hbm>>
    %dma_wait3A_313 = tpu.memref_slice %arg5[%add3A_309] : memref<3276800xf32, #tpu.memory_space<hbm>> -> memref<12800xf32, #tpu.memory_space<hbm>>
    tpu.wait_dma2 semaphore(%arg17 : memref<!tpu.dma_semaphore, #tpu.memory_space<semaphore_mem>>) src(%arg9 : memref<12800xf32, #tpu.memory_space<vmem>>) dst(%dma_wait3A_313 : memref<12800xf32, #tpu.memory_space<hbm>>)
    %dma_wait3A_314 = tpu.memref_slice %arg4[%add3A_305] : memref<3276800xi32, #tpu.memory_space<hbm>> -> memref<12800xi32, #tpu.memory_space<hbm>>
    %dma_wait3A_315 = tpu.memref_slice %arg4[%add3A_305] : memref<3276800xi32, #tpu.memory_space<hbm>> -> memref<12800xi32, #tpu.memory_space<hbm>>
    tpu.wait_dma2 semaphore(%arg13 : memref<!tpu.dma_semaphore, #tpu.memory_space<semaphore_mem>>) src(%dma_wait3A_315 : memref<12800xi32, #tpu.memory_space<hbm>>) dst(%arg7 : memref<12800xi32, #tpu.memory_space<vmem>>)
    %dma_start3A_316 = arith.constant 0 : i32
    %dma_start3A_317 = tpu.memref_slice %arg11[%dma_start3A_316] : memref<1000000xf32, #tpu.memory_space<vmem_shared>> -> memref<1000000xf32, #tpu.memory_space<vmem_shared>>
    tpu.enqueue_indirect_dma source(%dma_start3A_317 : memref<1000000xf32, #tpu.memory_space<vmem_shared>>) target(%arg9 : memref<12800xf32, #tpu.memory_space<vmem>>) offsets(%arg7 : memref<12800xi32, #tpu.memory_space<vmem>>) semaphore(%arg15 : memref<!tpu.dma_semaphore, #tpu.memory_space<semaphore_mem>>)
    %dma_wait3A_318 = arith.constant 0 : i32
    %dma_wait3A_319 = tpu.memref_slice %arg11[%dma_wait3A_318] : memref<1000000xf32, #tpu.memory_space<vmem_shared>> -> memref<1000000xf32, #tpu.memory_space<vmem_shared>>
    tpu.wait_indirect_dma semaphore(%arg14 : memref<!tpu.dma_semaphore, #tpu.memory_space<semaphore_mem>>) src(%dma_wait3A_319 : memref<1000000xf32, #tpu.memory_space<vmem_shared>>) dst(%arg8 : memref<12800xf32, #tpu.memory_space<vmem>>)
    %add3A_320 = arith.constant 76800 : i32
    %add3A_321 = arith.addi %mul3A_2, %add3A_320 : i32
    %dma_start3A_322 = tpu.memref_slice %arg4[%add3A_321] : memref<3276800xi32, #tpu.memory_space<hbm>> -> memref<12800xi32, #tpu.memory_space<hbm>>
    %dma_start3A_323 = tpu.memref_slice %arg4[%add3A_321] : memref<3276800xi32, #tpu.memory_space<hbm>> -> memref<12800xi32, #tpu.memory_space<hbm>>
    tpu.enqueue_dma source(%dma_start3A_323 : memref<12800xi32, #tpu.memory_space<hbm>>) target(%arg6 : memref<12800xi32, #tpu.memory_space<vmem>>) target_semaphore(%arg12 : memref<!tpu.dma_semaphore, #tpu.memory_space<semaphore_mem>>)
    %add3A_324 = arith.constant 51200 : i32
    %add3A_325 = arith.addi %mul3A_2, %add3A_324 : i32
    %dma_start3A_326 = tpu.memref_slice %arg5[%add3A_325] : memref<3276800xf32, #tpu.memory_space<hbm>> -> memref<12800xf32, #tpu.memory_space<hbm>>
    %dma_start3A_327 = tpu.memref_slice %arg5[%add3A_325] : memref<3276800xf32, #tpu.memory_space<hbm>> -> memref<12800xf32, #tpu.memory_space<hbm>>
    tpu.enqueue_dma source(%arg8 : memref<12800xf32, #tpu.memory_space<vmem>>) target(%dma_start3A_327 : memref<12800xf32, #tpu.memory_space<hbm>>) target_semaphore(%arg16 : memref<!tpu.dma_semaphore, #tpu.memory_space<semaphore_mem>>)
    %dma_wait3A_328 = tpu.memref_slice %arg5[%add3A_325] : memref<3276800xf32, #tpu.memory_space<hbm>> -> memref<12800xf32, #tpu.memory_space<hbm>>
    %dma_wait3A_329 = tpu.memref_slice %arg5[%add3A_325] : memref<3276800xf32, #tpu.memory_space<hbm>> -> memref<12800xf32, #tpu.memory_space<hbm>>
    tpu.wait_dma2 semaphore(%arg16 : memref<!tpu.dma_semaphore, #tpu.memory_space<semaphore_mem>>) src(%arg8 : memref<12800xf32, #tpu.memory_space<vmem>>) dst(%dma_wait3A_329 : memref<12800xf32, #tpu.memory_space<hbm>>)
    %dma_wait3A_330 = tpu.memref_slice %arg4[%add3A_321] : memref<3276800xi32, #tpu.memory_space<hbm>> -> memref<12800xi32, #tpu.memory_space<hbm>>
    %dma_wait3A_331 = tpu.memref_slice %arg4[%add3A_321] : memref<3276800xi32, #tpu.memory_space<hbm>> -> memref<12800xi32, #tpu.memory_space<hbm>>
    tpu.wait_dma2 semaphore(%arg12 : memref<!tpu.dma_semaphore, #tpu.memory_space<semaphore_mem>>) src(%dma_wait3A_331 : memref<12800xi32, #tpu.memory_space<hbm>>) dst(%arg6 : memref<12800xi32, #tpu.memory_space<vmem>>)
    %dma_start3A_332 = arith.constant 0 : i32
    %dma_start3A_333 = tpu.memref_slice %arg11[%dma_start3A_332] : memref<1000000xf32, #tpu.memory_space<vmem_shared>> -> memref<1000000xf32, #tpu.memory_space<vmem_shared>>
    tpu.enqueue_indirect_dma source(%dma_start3A_333 : memref<1000000xf32, #tpu.memory_space<vmem_shared>>) target(%arg8 : memref<12800xf32, #tpu.memory_space<vmem>>) offsets(%arg6 : memref<12800xi32, #tpu.memory_space<vmem>>) semaphore(%arg14 : memref<!tpu.dma_semaphore, #tpu.memory_space<semaphore_mem>>)
    %dma_wait3A_334 = arith.constant 0 : i32
    %dma_wait3A_335 = tpu.memref_slice %arg11[%dma_wait3A_334] : memref<1000000xf32, #tpu.memory_space<vmem_shared>> -> memref<1000000xf32, #tpu.memory_space<vmem_shared>>
    tpu.wait_indirect_dma semaphore(%arg15 : memref<!tpu.dma_semaphore, #tpu.memory_space<semaphore_mem>>) src(%dma_wait3A_335 : memref<1000000xf32, #tpu.memory_space<vmem_shared>>) dst(%arg9 : memref<12800xf32, #tpu.memory_space<vmem>>)
    %add3A_336 = arith.constant 89600 : i32
    %add3A_337 = arith.addi %mul3A_2, %add3A_336 : i32
    %dma_start3A_338 = tpu.memref_slice %arg4[%add3A_337] : memref<3276800xi32, #tpu.memory_space<hbm>> -> memref<12800xi32, #tpu.memory_space<hbm>>
    %dma_start3A_339 = tpu.memref_slice %arg4[%add3A_337] : memref<3276800xi32, #tpu.memory_space<hbm>> -> memref<12800xi32, #tpu.memory_space<hbm>>
    tpu.enqueue_dma source(%dma_start3A_339 : memref<12800xi32, #tpu.memory_space<hbm>>) target(%arg7 : memref<12800xi32, #tpu.memory_space<vmem>>) target_semaphore(%arg13 : memref<!tpu.dma_semaphore, #tpu.memory_space<semaphore_mem>>)
    %add3A_340 = arith.constant 64000 : i32
    %add3A_341 = arith.addi %mul3A_2, %add3A_340 : i32
    %dma_start3A_342 = tpu.memref_slice %arg5[%add3A_341] : memref<3276800xf32, #tpu.memory_space<hbm>> -> memref<12800xf32, #tpu.memory_space<hbm>>
    %dma_start3A_343 = tpu.memref_slice %arg5[%add3A_341] : memref<3276800xf32, #tpu.memory_space<hbm>> -> memref<12800xf32, #tpu.memory_space<hbm>>
    tpu.enqueue_dma source(%arg9 : memref<12800xf32, #tpu.memory_space<vmem>>) target(%dma_start3A_343 : memref<12800xf32, #tpu.memory_space<hbm>>) target_semaphore(%arg17 : memref<!tpu.dma_semaphore, #tpu.memory_space<semaphore_mem>>)
    %dma_wait3A_344 = tpu.memref_slice %arg5[%add3A_341] : memref<3276800xf32, #tpu.memory_space<hbm>> -> memref<12800xf32, #tpu.memory_space<hbm>>
    %dma_wait3A_345 = tpu.memref_slice %arg5[%add3A_341] : memref<3276800xf32, #tpu.memory_space<hbm>> -> memref<12800xf32, #tpu.memory_space<hbm>>
    tpu.wait_dma2 semaphore(%arg17 : memref<!tpu.dma_semaphore, #tpu.memory_space<semaphore_mem>>) src(%arg9 : memref<12800xf32, #tpu.memory_space<vmem>>) dst(%dma_wait3A_345 : memref<12800xf32, #tpu.memory_space<hbm>>)
    %dma_wait3A_346 = tpu.memref_slice %arg4[%add3A_337] : memref<3276800xi32, #tpu.memory_space<hbm>> -> memref<12800xi32, #tpu.memory_space<hbm>>
    %dma_wait3A_347 = tpu.memref_slice %arg4[%add3A_337] : memref<3276800xi32, #tpu.memory_space<hbm>> -> memref<12800xi32, #tpu.memory_space<hbm>>
    tpu.wait_dma2 semaphore(%arg13 : memref<!tpu.dma_semaphore, #tpu.memory_space<semaphore_mem>>) src(%dma_wait3A_347 : memref<12800xi32, #tpu.memory_space<hbm>>) dst(%arg7 : memref<12800xi32, #tpu.memory_space<vmem>>)
    %dma_start3A_348 = arith.constant 0 : i32
    %dma_start3A_349 = tpu.memref_slice %arg11[%dma_start3A_348] : memref<1000000xf32, #tpu.memory_space<vmem_shared>> -> memref<1000000xf32, #tpu.memory_space<vmem_shared>>
    tpu.enqueue_indirect_dma source(%dma_start3A_349 : memref<1000000xf32, #tpu.memory_space<vmem_shared>>) target(%arg9 : memref<12800xf32, #tpu.memory_space<vmem>>) offsets(%arg7 : memref<12800xi32, #tpu.memory_space<vmem>>) semaphore(%arg15 : memref<!tpu.dma_semaphore, #tpu.memory_space<semaphore_mem>>)
    %dma_wait3A_350 = arith.constant 0 : i32
    %dma_wait3A_351 = tpu.memref_slice %arg11[%dma_wait3A_350] : memref<1000000xf32, #tpu.memory_space<vmem_shared>> -> memref<1000000xf32, #tpu.memory_space<vmem_shared>>
    tpu.wait_indirect_dma semaphore(%arg14 : memref<!tpu.dma_semaphore, #tpu.memory_space<semaphore_mem>>) src(%dma_wait3A_351 : memref<1000000xf32, #tpu.memory_space<vmem_shared>>) dst(%arg8 : memref<12800xf32, #tpu.memory_space<vmem>>)
    %add3A_352 = arith.constant 76800 : i32
    %add3A_353 = arith.addi %mul3A_2, %add3A_352 : i32
    %dma_start3A_354 = tpu.memref_slice %arg5[%add3A_353] : memref<3276800xf32, #tpu.memory_space<hbm>> -> memref<12800xf32, #tpu.memory_space<hbm>>
    %dma_start3A_355 = tpu.memref_slice %arg5[%add3A_353] : memref<3276800xf32, #tpu.memory_space<hbm>> -> memref<12800xf32, #tpu.memory_space<hbm>>
    tpu.enqueue_dma source(%arg8 : memref<12800xf32, #tpu.memory_space<vmem>>) target(%dma_start3A_355 : memref<12800xf32, #tpu.memory_space<hbm>>) target_semaphore(%arg16 : memref<!tpu.dma_semaphore, #tpu.memory_space<semaphore_mem>>)
    %dma_wait3A_356 = arith.constant 0 : i32
    %dma_wait3A_357 = tpu.memref_slice %arg11[%dma_wait3A_356] : memref<1000000xf32, #tpu.memory_space<vmem_shared>> -> memref<1000000xf32, #tpu.memory_space<vmem_shared>>
    tpu.wait_indirect_dma semaphore(%arg15 : memref<!tpu.dma_semaphore, #tpu.memory_space<semaphore_mem>>) src(%dma_wait3A_357 : memref<1000000xf32, #tpu.memory_space<vmem_shared>>) dst(%arg9 : memref<12800xf32, #tpu.memory_space<vmem>>)
    %add3A_358 = arith.constant 89600 : i32
    %add3A_359 = arith.addi %mul3A_2, %add3A_358 : i32
    %dma_start3A_360 = tpu.memref_slice %arg5[%add3A_359] : memref<3276800xf32, #tpu.memory_space<hbm>> -> memref<12800xf32, #tpu.memory_space<hbm>>
    %dma_start3A_361 = tpu.memref_slice %arg5[%add3A_359] : memref<3276800xf32, #tpu.memory_space<hbm>> -> memref<12800xf32, #tpu.memory_space<hbm>>
    tpu.enqueue_dma source(%arg9 : memref<12800xf32, #tpu.memory_space<vmem>>) target(%dma_start3A_361 : memref<12800xf32, #tpu.memory_space<hbm>>) target_semaphore(%arg17 : memref<!tpu.dma_semaphore, #tpu.memory_space<semaphore_mem>>)
    %dma_wait3A_362 = tpu.memref_slice %arg5[%add3A_353] : memref<3276800xf32, #tpu.memory_space<hbm>> -> memref<12800xf32, #tpu.memory_space<hbm>>
    %dma_wait3A_363 = tpu.memref_slice %arg5[%add3A_353] : memref<3276800xf32, #tpu.memory_space<hbm>> -> memref<12800xf32, #tpu.memory_space<hbm>>
    tpu.wait_dma2 semaphore(%arg16 : memref<!tpu.dma_semaphore, #tpu.memory_space<semaphore_mem>>) src(%arg8 : memref<12800xf32, #tpu.memory_space<vmem>>) dst(%dma_wait3A_363 : memref<12800xf32, #tpu.memory_space<hbm>>)
    %dma_wait3A_364 = tpu.memref_slice %arg5[%add3A_359] : memref<3276800xf32, #tpu.memory_space<hbm>> -> memref<12800xf32, #tpu.memory_space<hbm>>
    %dma_wait3A_365 = tpu.memref_slice %arg5[%add3A_359] : memref<3276800xf32, #tpu.memory_space<hbm>> -> memref<12800xf32, #tpu.memory_space<hbm>>
    tpu.wait_dma2 semaphore(%arg17 : memref<!tpu.dma_semaphore, #tpu.memory_space<semaphore_mem>>) src(%arg9 : memref<12800xf32, #tpu.memory_space<vmem>>) dst(%dma_wait3A_365 : memref<12800xf32, #tpu.memory_space<hbm>>)
    return
  }
}

module attributes {stable_mosaic.version = 14 : i64} {
  func.func @_stats_body(%arg0: memref<7816x128xf32, #tpu.memory_space<vmem>>, %arg1: memref<2x128xf32, #tpu.memory_space<vmem>>) attributes {dimension_semantics = [], scalar_prefetch = 0 : i64, scratch_operands = 0 : i64, tpu.core_type = #tpu.core_type<tc>} {
    %get3A = arith.constant 0 : index
    %get3A_0 = arith.constant 0 : index
    %get3A_1 = vector.load %arg0[%get3A, %get3A_0] : memref<7816x128xf32, #tpu.memory_space<vmem>>, vector<7816x128xf32>
    %reduce_max3A = vector.shape_cast %get3A_1 : vector<7816x128xf32> to vector<1x7816x128xf32>
    %reduce_max3A_2 = arith.constant dense<0xFF800000> : vector<1xf32>
    %reduce_max3A_3 = vector.multi_reduction <maximumf>, %reduce_max3A, %reduce_max3A_2 [1, 2] : vector<1x7816x128xf32> to vector<1xf32>
    %reduce_max3A_4 = vector.shape_cast %reduce_max3A_3 : vector<1xf32> to vector<1x1x1xf32>
    %reduce_max3A_5 = vector.extract %reduce_max3A_4[0, 0, 0] : f32 from vector<1x1x1xf32>
    %sub3A = vector.broadcast %reduce_max3A_5 : f32 to vector<7816x128xf32>
    %sub3A_6 = arith.subf %get3A_1, %sub3A : vector<7816x128xf32>
    %exp3A = math.exp %sub3A_6 : vector<7816x128xf32>
    %reduce_sum3A = vector.shape_cast %exp3A : vector<7816x128xf32> to vector<1x7816x128xf32>
    %reduce_sum3A_7 = arith.constant dense<0.000000e+00> : vector<1xf32>
    %reduce_sum3A_8 = vector.multi_reduction <add>, %reduce_sum3A, %reduce_sum3A_7 [1, 2] : vector<1x7816x128xf32> to vector<1xf32>
    %reduce_sum3A_9 = vector.shape_cast %reduce_sum3A_8 : vector<1xf32> to vector<1x1x1xf32>
    %reduce_sum3A_10 = vector.extract %reduce_sum3A_9[0, 0, 0] : f32 from vector<1x1x1xf32>
    %broadcast_in_dim3A = vector.broadcast %reduce_max3A_5 : f32 to vector<1x128xf32>
    %broadcast_in_dim3A_11 = vector.broadcast %reduce_sum3A_10 : f32 to vector<1x128xf32>
    %concatenate3A = tpu.concatenate %broadcast_in_dim3A, %broadcast_in_dim3A_11 in 0 : vector<1x128xf32>, vector<1x128xf32> -> vector<2x128xf32>
    %swap3A = arith.constant 0 : index
    %swap3A_12 = arith.constant 0 : index
    %swap3A_13 = vector.load %arg1[%swap3A, %swap3A_12] : memref<2x128xf32, #tpu.memory_space<vmem>>, vector<2x128xf32>
    tpu.vector_store %arg1[%swap3A, %swap3A_12], %concatenate3A {strides = array<i32>} : memref<2x128xf32, #tpu.memory_space<vmem>>, vector<2x128xf32>,
    return
  }
}

</mosaic_0001>

<sc_bundles>
// kernel: kernel.4.cloned.1.call-start
scs
__scs_entry_jumppad:
0x0: {  	(pc) =	sbr.rel $0x88, $3  }
0x1: {  	(tag) =	ssettag $0x0;
	lr =	simm.s32 $0x1  }
0x2: {  	[smem:$0x3F9F] =	sst lr;
	_ =	strace $0xD0000000  }
0x3: {  	_ = 	snop  }
0x4: {  	_ = 	snop  }
0x5: {  	_ = 	snop  }
0x6: {  	_ = 	snop  }
0x7: {  	_ = 	snop  }
__scs_overlays_trampoline_lowered:
0x8: {  	[smem:$0x3FAE] =	sst s0  }
0x9: {  	[smem:$0x3FAF] =	sst s1  }
0xa: {  	[smem:$0x3FB0] =	sst s2  }
0xb: {  	[smem:$0x3FB1] =	sst s3  }
0xc: {  	[smem:$0x3FB2] =	sst s4  }
0xd: {  	[smem:$0x3FB3] =	sst s5  }
0xe: {  	[smem:$0x3FB4] =	sst s6  }
0xf: {  	[smem:$0x3FB5] =	sst s7  }
0x10: {  	[smem:$0x3FB6] =	sst s8  }
0x11: {  	[smem:$0x3FB7] =	sst s9;
	s0 =	simm.s32 @!p0 $0x0  }
0x12: {  	s1 =	sld [smem:$0x3F9D];
	s0 =	simm.s32 @p0 $0x1  }
0x13: {  	[smem:$0x3FB8] =	sst s0;
	s0 =	simm.s32 @!p1 $0x0  }
0x14: {  	s2 =	sld [smem:$0x3F9C];
	s0 =	simm.s32 @p1 $0x1  }
0x15: {  	[smem:$0x3FB9] =	sst s0;
	s0 =	simm.s32 @!p2 $0x0  }
0x16: {  	s3 =	sld [smem:$0x3FDB];
	s0 =	simm.s32 @p2 $0x1  }
0x17: {  	s4 =	simm.s32 $0x1BF5;
	[smem:$0x3FBB] =	sst s0  }
0x18: {  	s0 =	sld [smem:$0x3F9E];
	_ =	swait.ge [sflag:s4], $0x0  }
0x19: {  	s7 =	sld [smem:$0x3F9F]  }
0x1a: {  	s8 =	sadd.s32 $0xFFFFE003, lr  }
0x1b: {  	s9 =	sadd.s32 $0xFFFFFEF7, lr;
	s5 =	simm.s32 $0xFFFFFFFF;
	p2 =	slt.u32 s8, $0xFFFFF086  }
0x1c: {  	p1 =	slt.u32 s9, $0xF7A;
	s5 =	simm.s32 @!p2 $0x0  }
0x1d: {  	s5 =	simm.s32 @p1 $0x1;
	p0 =	seq.s32 s7, s2  }
0x1e: {  	s7 =	smul.u32 @!p0 $0xF7A, s2;
	p2 =	seq.s32 @!p0 s5, $0x0  }
0x1f: {  	s9 =	smul.u32 $0xF7A, s1;
	s8 =	simm.s32 @!p0 $0x1BF5;
	p2 =	por !p2, p0  }
0x20: {  	[sflag:s8] =	ssyncset.s32 @!p0 $0xFFFFF086;
	s6 =	sadd.s32 @!p0 s3, s7;
	s7 =	simm.s32 @!p0 $0x108  }
0x21: {  	s3 =	sadd.s32 s3, s9;
	s6 =	sadd.s32 @!p0 $0x88, s6;
	s7 =	simm.s32 @p2 $0x1082  }
0x22: {  	[simem:s7], [sflag:s8] =	dma.local @!p0 [hbm:s6], $0xF7A  }
0x23: {  	s9 =	sor.u32 $0xD0000000, s2;
	s6 =	simm.s32 $0x108;
	_ =	swait.ge @!p0 [sflag:s8], $0x0  }
0x24: {  	s3 =	sadd.s32 $0x88, s3;
	s6 =	simm.s32 @!p1 $0x1082;
	[sflag:s4] =	ssyncset.s32 $0xFFFFF086  }
0x25: {  	[simem:s6], [sflag:s4] =	dma.local [hbm:s3], $0xF7A  }
0x26: {  	[smem:$0x3F9F] =	sst s1;
	(tag) =	ssettag s2;
	_ =	strace s9  }
0x27: {  	s1 =	sld [smem:$0x3FAF]  }
0x28: {  	s2 =	sld [smem:$0x3FB0]  }
0x29: {  	s4 =	sld [smem:$0x3FB2]  }
0x2a: {  	p0 =	seq.s32 s5, $0x0;
	s5 =	sld [smem:$0x3FB3]  }
0x2b: {  	s6 =	sld [smem:$0x3FB4]  }
0x2c: {  	s7 =	sld [smem:$0x3FB5]  }
0x2d: {  	s3 =	simm.s32 $0x108;
	s8 =	sld [smem:$0x3FB6]  }
0x2e: {  	s3 =	simm.s32 @!p0 $0x1082;
	s9 =	sld [smem:$0x3FB7]  }
0x2f: {  	lr =	sadd.s32 s0, s3;
	s0 =	sld [smem:$0x3FAE]  }
0x30: {  	s3 =	sld [smem:$0x3FB1]  }
0x31: {  	[smem:$0x3FBA] =	sst s10  }
0x32: {  	s10 =	sld [smem:$0x3FB8];
	_ =	sdelay $0x3  }
0x33: {  	p0 =	seq.s32 s10, $0x1;
	s10 =	sld [smem:$0x3FBA];
	_ =	sdelay $0x3  }
0x34: {  	[smem:$0x3FBA] =	sst s10  }
0x35: {  	s10 =	sld [smem:$0x3FB9];
	_ =	sdelay $0x3  }
0x36: {  	p1 =	seq.s32 s10, $0x1;
	s10 =	sld [smem:$0x3FBA];
	_ =	sdelay $0x3  }
0x37: {  	[smem:$0x3FBA] =	sst s10  }
0x38: {  	s10 =	sld [smem:$0x3FBB]  }
0x39: {  	_ = 	snop;
	(pc) =	sbr.ind lr, $3  }
0x3a: {  	_ = 	snop  }
0x3b: {  	_ = 	snop  }
0x3c: {  	p2 =	seq.s32 s10, $0x1;
	s10 =	sld [smem:$0x3FBA]  }
0x3d: {  	_ =	shalt  }
0x3e: {  	_ =	shalt  }
0x3f: {  	_ =	shalt  }
0x40: {  	_ =	shalt  }
0x41: {  	_ =	shalt  }
0x42: {  	_ =	shalt  }
0x43: {  	_ =	shalt  }
0x44: {  	_ =	shalt  }
0x45: {  	_ =	shalt  }
0x46: {  	_ =	shalt  }
0x47: {  	_ =	shalt  }
0x48: {  	_ =	shalt  }
0x49: {  	_ =	shalt  }
0x4a: {  	_ =	shalt  }
0x4b: {  	_ =	shalt  }
0x4c: {  	_ =	shalt  }
0x4d: {  	_ =	shalt  }
0x4e: {  	_ =	shalt  }
0x4f: {  	_ =	shalt  }
0x50: {  	_ =	shalt  }
0x51: {  	_ =	shalt  }
0x52: {  	_ =	shalt  }
0x53: {  	_ =	shalt  }
0x54: {  	_ =	shalt  }
0x55: {  	_ =	shalt  }
0x56: {  	_ =	shalt  }
0x57: {  	_ =	shalt  }
0x58: {  	_ =	shalt  }
0x59: {  	_ =	shalt  }
0x5a: {  	_ =	shalt  }
0x5b: {  	_ =	shalt  }
0x5c: {  	_ =	shalt  }
0x5d: {  	_ =	shalt  }
0x5e: {  	_ =	shalt  }
0x5f: {  	_ =	shalt  }
0x60: {  	_ =	shalt  }
0x61: {  	_ =	shalt  }
0x62: {  	_ =	shalt  }
0x63: {  	_ =	shalt  }
0x64: {  	_ =	shalt  }
0x65: {  	_ =	shalt  }
0x66: {  	_ =	shalt  }
0x67: {  	_ =	shalt  }
0x68: {  	_ =	shalt  }
0x69: {  	_ =	shalt  }
0x6a: {  	_ =	shalt  }
0x6b: {  	_ =	shalt  }
0x6c: {  	_ =	shalt  }
0x6d: {  	_ =	shalt  }
0x6e: {  	_ =	shalt  }
0x6f: {  	_ =	shalt  }
0x70: {  	_ =	shalt  }
0x71: {  	_ =	shalt  }
0x72: {  	_ =	shalt  }
0x73: {  	_ =	shalt  }
0x74: {  	_ =	shalt  }
0x75: {  	_ =	shalt  }
0x76: {  	_ =	shalt  }
0x77: {  	_ =	shalt  }
0x78: {  	_ =	shalt  }
0x79: {  	_ =	shalt  }
0x7a: {  	_ =	shalt  }
0x7b: {  	_ =	shalt  }
0x7c: {  	_ =	shalt  }
0x7d: {  	_ =	shalt  }
0x7e: {  	_ =	shalt  }
0x7f: {  	_ =	shalt  }
0x80: {  	_ =	shalt  }
0x81: {  	_ =	shalt  }
0x82: {  	_ =	shalt  }
0x83: {  	_ =	shalt  }
0x84: {  	_ =	shalt  }
0x85: {  	_ =	shalt  }
0x86: {  	_ =	shalt  }
0x87: {  	_ =	shalt  }
.Lfunc_end0:
.L_simem_size_0:
called_computation_lowered:
.L_overlay_start_0:
0x88: {  	s2 =	sld [smem:$0x3FD9]  }
0x89: {  	s3 =	sld [smem:$0x3FFE];
	_ =	sdelay $0x1  }
0x8a: {  	s1 =	srdreg.scid  }
0x8b: {  	s0 =	sand.u32 $0x1, s1  }
0x8c: {  	s17 =	sshll.u32 s0, $0xA;
	s2 =	sadd.s32 s3, s2  }
0x8d: {  	s2 =	sadd.s32 s2, s17  }
0x8e: {  	[smem:$0x3FC6] =	sst s2  }
0x8f: {  	_ = 	snop  }
0x90: {  	s2 =	sld [smem:$0x3FC8]  }
0x91: {  	s18 =	sld [smem:$0x3FD0];
	(tm) =	ssettm $0x1  }
0x92: {  	s4 =	sld [smem:$0x3FFB];
	_ =	sdelay $0x3  }
0x93: {  	_ =	strace s4  }
0x94: {  	s4 =	sld [smem:$0x3FFC];
	_ =	sdelay $0x3  }
0x95: {  	_ =	strace s4  }
0x96: {  	s4 =	sld [smem:$0x3FFD];
	_ =	sdelay $0x3  }
0x97: {  	_ =	strace s4  }
0x98: {  	_ =	strace $0x8FFFFFFF  }
0x99: {  	s19 =	sld [smem:$0x3FDB];
	_ =	sdelay $0x1  }
0x9a: {  	s5 =	simm.s32 $_scs_section_size  }
0x9b: {  	s6 =	simm.s32 $_size__tile_overlayer_lowered;
	s7 =	simm.s32 $_tile_overlayer_lowered  }
0x9c: {  	s22 =	simm.s32 $0x1BFF;
	s21 =	sshll.u32 s7, $0x1;
	s4 =	sadd.s32 s5, s19  }
0x9d: {  	s8 =	simm.s32 $0x0;
	s20 =	sshll.u32 s6, $0x1;
	s6 =	sadd.s32 s21, s4  }
0x9e: {  	[timem:s8], [sflag:s22] =	dma.local [hbm:s6], s20  }
0x9f: {  	_ =	swait.ge [sflag:s22], s20  }
0xa0: {  	s5 =	ssub.s32 $0x0, s20;
	[sflag:s22] =	ssyncset.done $0x0  }
0xa1: {  	[sflag:s22] =	ssyncadd.s32 s5;
	_ =	sdelay $0x1  }
0xa2: {  	s23 =	simm.s32 $0x1B8B  }
0xa3: {  	_ =	swait.ge [sflag:s23], $0x1  }
0xa4: {  	[sflag:s23] =	ssyncset.done $0x0  }
0xa5: {  	s25 =	simm.s32 $0x1B8E;
	s24 =	sld [smem:$0x3FFE];
	[sflag:s23] =	ssyncadd.s32 $0xFFFFFFFF  }
0xa6: {  	s26 =	simm.s32 $execute0_lowered;
	[smem:$0x3FD2] =	sst s25  }
0xa7: {  	s6 =	sshll.u32 s26, $0x1;
	_ =	strace $0x80000046;
	[dreg:$0x1] =	wrdreg $0xFFFFFFFF  }
0xa8: {  	s28 =	simm.s32 $_size_execute0_lowered;
	s4 =	sadd.s32 s4, s6;
	[dreg:$0x0] =	wrdreg $0x0  }
0xa9: {  	s6 =	sshll.u32 s28, $0x1;
	[dreg:$0x2] =	wrdreg s4  }
0xaa: {  	[dreg:$0x3] =	wrdreg s6  }
0xab: {  	[dreg:$0x4] =	wrdreg $0xC0  }
0xac: {  	_ =	task [dreg:s8], $0x5FFFF  }
0xad: {  	[dreg:$0x1] =	wrdreg $0xFFFFFFFF  }
0xae: {  	[dreg:$0x0] =	wrdreg $0x60  }
0xaf: {  	[dreg:$0x2] =	wrdreg s2  }
0xb0: {  	[dreg:$0x3] =	wrdreg s24  }
0xb1: {  	[dreg:$0x4] =	wrdreg s18  }
0xb2: {  	[dreg:$0x5] =	wrdreg $0xC9000  }
0xb3: {  	[dreg:$0x6] =	wrdreg $0x9  }
0xb4: {  	_ =	task.clear_ibuf [dreg:s8], $0x7FFFF;
	_ =	strace $0x90000046  }
0xb5: {  	s29 =	simm.s32 $0x9;
	_ =	strace $0x80000048  }
0xb6: {  	_ =	swait.ge [sflag:s29], $0x1  }
0xb7: {  	[sflag:s29] =	ssyncadd.s32 $0xFFFFFFFF  }
0xb8: {  	_ =	strace $0x90000048  }
0xb9: {  	_ =	sfence  }
0xba: {  	s30 =	sld [smem:$0x0];
	_ =	sdelay $0x2  }
0xbb: {  	s31 =	sshll.u32 s1, $0xD;
	s1 =	sshrl.u32 s1, $0x2  }
0xbc: {  	s3 =	sand.u32 $0x4000, s31;
	s1 =	sadd.s32 s1, s30  }
0xbd: {  	s0 =	sor.u32 s3, s0;
	s1 =	sshll.u32 s1, $0x11  }
0xbe: {  	s0 =	sor.u32 s1, s0  }
0xbf: {  	s0 =	sadd.s32 $0x8F2B, s0  }
0xc0: {  	[sflag:s0] =	ssyncadd.remote.s32 $0x1  }
0xc1: {  	_ =	sfence.sel $0xFFFF  }
0xc2: {  	[dreg:$0x0] =	wrdreg $0xFFFFFFFF;
	(pc) =	sbr.abs _section_cstart, $3  }
0xc3: {  	[dreg:$0x1] =	wrdreg $0xFFFFFFFF  }
0xc4: {  	_ =	task.clear_ibuf [dreg:s8], $0x2FFFF;
	_ =	strace $0x9FFFFFFF  }
0xc5: {  	(tm) =	ssettm $0x7FFFFFFF  }
tec
execute0_lowered:
.L_overlay_start_1:
0x0: {  	(tag) =	ssettag $0x1  }
0x1: {  	s0 =	rddreg [dreg:$0x0];
	s1 =	srdreg.scid  }
0x2: {  	s7 =	stileid.u32;
	s2 =	rddreg [dreg:$0x1]  }
0x3: {  	s4 =	rddreg [dreg:$0x2];
	s3 =	sand.u32 $0x1, s1;
	s24 =	sshll.u32 s7, $0x1  }
0x4: {  	s1 =	simm.s32 $0x0;
	s7 =	smul.u32 $0xF424, s7;
	s8 =	sadd.s32 $0xA00, s2  }
0x5: {  	s5 =	sor.u32 s3, s24;
	s3 =	ssub.s32 $0x2, s3;
	[smem:$0x7FF] =	sst s1  }
0x6: {  	s6 =	sshrl.u32 s3, $0x1;
	s9 =	sand.u32 $0xFFFF8, s7;
	s7 =	sshrl.u32 s7, $0x3  }
0x7: {  	s5 =	smul.u32 $0x19000, s5;
	s3 =	ssub.s32 s3, s6;
	s7 =	sadd.s32 s0, s7  }
0x8: {  	s11 =	sadd.s32 $0x6400, s9;
	s12 =	sadd.s32 $0x9600, s9;
	s13 =	sadd.s32 $0xC800, s9  }
0x9: {  	s5 =	sshrl.u32 s5, $0x3;
	[dreg:$0x7] =	wrdreg s7;
	s16 =	sshrl.u32 s11, $0x3  }
0xa: {  	s17 =	sshrl.u32 s12, $0x3;
	s25 =	sadd.s32 s4, s5;
	s26 =	sadd.s32 $0x640, s5  }
0xb: {  	s14 =	sadd.s32 $0xC80, s5;
	[dreg:$0x5] =	wrdreg s25;
	s10 =	sadd.s32 s4, s26  }
0xc: {  	s20 =	sadd.s32 $0x12C0, s5;
	s19 =	sadd.s32 s4, s14;
	[dreg:$0x6] =	wrdreg s10  }
0xd: {  	s18 =	sshrl.u32 s13, $0x3;
	s21 =	sadd.s32 s4, s20;
	[dreg:$0xc] =	wrdreg s19  }
0xe: {  	s22 =	sadd.s32 $0x1900, s5;
	s6 =	sadd.s32 s8, s26;
	[dreg:$0xd] =	wrdreg s21  }
0xf: {  	s23 =	sadd.s32 s4, s22;
	s24 =	sadd.s32 s8, s14;
	[dreg:$0xe] =	wrdreg s6  }
0x10: {  	s25 =	sadd.s32 $0x1F40, s5;
	s26 =	sadd.s32 $0x2580, s5;
	[dreg:$0xf] =	wrdreg s23  }
0x11: {  	s10 =	sadd.s32 $0x3200, s9;
	[dreg:$0x10] =	wrdreg s24;
	s19 =	sadd.s32 s4, s26  }
0x12: {  	s21 =	rddreg [dreg:$0x3];
	s23 =	sadd.s32 s8, s26;
	s6 =	simm.s32 $0x5  }
0x13: {  	s15 =	sshrl.u32 s10, $0x3;
	s26 =	sadd.s32 s9, s21;
	s28 =	sadd.s32 s10, s21  }
0x14: {  	s29 =	sadd.s32 s11, s21;
	s30 =	sadd.s32 s12, s21;
	s31 =	sadd.s32 s13, s21  }
0x15: {  	s9 =	simm.s32 $0x2;
	s10 =	simm.s32 $0x4;
	s11 =	simm.s32 $0x0  }
0x16: {  	s7 =	sadd.s32 s0, s15;
	s15 =	sadd.s32 s8, s22;
	s22 =	sadd.s32 s8, s25  }
0x17: {  	[dreg:$0x8] =	wrdreg s7;
	s7 =	sadd.s32 s0, s16;
	s16 =	sadd.s32 s8, s5  }
0x18: {  	s5 =	sadd.s32 $0x2BC0, s5;
	[dreg:$0x9] =	wrdreg s7;
	s7 =	sadd.s32 s0, s17  }
0x19: {  	s0 =	sadd.s32 s0, s18;
	s18 =	sadd.s32 s4, s25;
	s24 =	sadd.s32 s8, s5  }
0x1a: {  	s25 =	sadd.s32 $0x800, s2;
	s17 =	smax.u32 s3, $0x1;
	[dreg:$0xa] =	wrdreg s7  }
0x1b: {  	s2 =	simm.s32 $0x7;
	s3 =	simm.s32 $0x6400;
	[dreg:$0xb] =	wrdreg s0  }
0x1c: {  	s0 =	sadd.s32 s8, s20;
	s20 =	sadd.s32 s4, s5;
	s4 =	simm.s32 $0x3  }
0x1d: {  	s5 =	simm.s32 $0x9600;
	s7 =	simm.s32 $0x6;
	[dreg:$0x11] =	wrdreg s0  }
0x1e: {  	s8 =	simm.s32 $0x1;
	s0 =	simm.s32 $0x3200;
	_ =	strace $0x80000047  }
.LBB2_1:
0x1f: {  	s12 =	rddreg [dreg:$0x5]  }
0x20: {  	[tilespmem:s1], [sflag:$0x1] =	stream.linear.gather [hbm4b:s12+s1], $0x3200, $0x38;
	[tilespmem:$0x1BD28] =	vst v63  }
0x21: {  	s13 =	rddreg [dreg:$0x6]  }
0x22: {  	[tilespmem:s0], [sflag:$0x2] =	stream.linear.gather [hbm4b:s13+s1], $0x3200, $0x38;
	[tilespmem:$0x1BD28] =	vst v63  }
0x23: {  	s14 =	simm.s32 $0xC800  }
0x24: {  	[tilespmem:s14], [sflag:$0x7] =	stream.linear.gather [hbm4b:s25+s1], $0x100, $0x38;
	[tilespmem:$0x1BD28] =	vst v63  }
0x25: {  	_ =	swait.ge [sflag:s2], $0x100  }
0x26: {  	[sflag:s2] =	ssyncset.done $0x0  }
0x27: {  	[sflag:s2] =	ssyncadd.s32 $0xFFFFFF00  }
0x28: {  	v0 =	vld [tilespmem:$0xC880];
	_ =	sdelay $0x4  }
0x29: {  	(erf) = vrcp.f32 v0;
	_ =	sdelay $0x7  }
0x2a: {  	s13 =	rddreg [dreg:$0x7]  }
0x2b: {  	v1 =	vld [tilespmem:$0xC800];
	[tilespmem:s3], [sflag:$0x3] =	stream.linear.gather [hbm4b:s13+s1], $0x3200, $0x38;
	v0 =	vpop (erf)  }
0x2c: {  	_ =	swait.ge [sflag:s4], $0x3200  }
0x2d: {  	[sflag:s4] =	ssyncset.done $0x0  }
0x2e: {  	s12 =	simm.s32 $0x6440;
	s14 =	rddreg [dreg:$0x8];
	[sflag:s4] =	ssyncadd.s32 $0xFFFFCE00  }
0x2f: {  	[tilespmem:s5], [sflag:$0x3] =	stream.linear.gather [hbm4b:s14+s1], $0x3200, $0x38;
	[tilespmem:$0x1BD28] =	vst v63  }
0x30: {  	v2 =	vld [tilespmem:s12+$0xFFFFFFC0]  }
0x31: {  	v3 =	vld [tilespmem:s12+$0xFFFFFFD0];
	_ =	sdelay $0x1  }
0x32: {  	v4 =	vld [tilespmem:s12+$0xFFFFFFE0]  }
0x33: {  	v5 =	vld [tilespmem:s12+$0x0]  }
0x34: {  	v2 =	vsub.f32 v2, v1  }
0x35: {  	v3 =	vsub.f32 v3, v1  }
0x36: {  	v6 =	vld [tilespmem:s12+$0x10];
	v2 =	vmul.f32 $1.442695020e+00, v2  }
0x37: {  	v7 =	vld [tilespmem:s12+$0x20];
	v4 =	vsub.f32 v4, v1;
	v3 =	vmul.f32 $1.442695020e+00, v3  }
0x38: {  	v5 =	vsub.f32 v5, v1;
	(erf) = vpow2.f32 v2;
	v2 =	vld [tilespmem:s12+$0x30]  }
0x39: {  	v4 =	vmul.f32 $1.442695020e+00, v4;
	(erf) = vpow2.f32 v3;
	v3 =	vld [tilespmem:s12+$0xFFFFFFF0]  }
0x3a: {  	v5 =	vmul.f32 $1.442695020e+00, v5  }
0x3b: {  	(erf) = vpow2.f32 v4;
	v4 =	vsub.f32 v6, v1  }
0x3c: {  	(erf) = vpow2.f32 v5;
	v5 =	vsub.f32 v7, v1  }
0x3d: {  	v4 =	vmul.f32 $1.442695020e+00, v4;
	v2 =	vsub.f32 v2, v1  }
0x3e: {  	v5 =	vmul.f32 $1.442695020e+00, v5;
	v3 =	vsub.f32 v3, v1  }
0x3f: {  	(erf) = vpow2.f32 v4;
	v2 =	vmul.f32 $1.442695020e+00, v2  }
0x40: {  	(erf) = vpow2.f32 v5;
	v3 =	vmul.f32 $1.442695020e+00, v3  }
0x41: {  	v4 =	vpop (erf);
	(erf) = vpow2.f32 v2  }
0x42: {  	(erf) = vpow2.f32 v3;
	_ =	sdelay $0x2  }
0x43: {  	v2 =	vmul.f32 v4, v0;
	v4 =	vpop (erf)  }
0x44: {  	v5 =	vpop (erf);
	v3 =	vmul.f32 v4, v0  }
0x45: {  	s13 =	simm.s32 $0x0;
	s14 =	simm.s32 $0x64C0;
	[tilespmem:s12+$0xFFFFFFC0] =	vst v2;
	v2 =	vmul.f32 v5, v0;
	v4 =	vpop (erf)  }
.LBB2_2:
0x46: {  	v5 =	vld [tilespmem:s14+$0xFFFFFFC0];
	[tilespmem:s12+$0xFFFFFFD0] =	vst v3;
	v3 =	vmul.f32 v4, v0;
	v4 =	vpop (erf)  }
0x47: {  	v6 =	vld [tilespmem:s14+$0xFFFFFFD0];
	[tilespmem:s12+$0xFFFFFFE0] =	vst v2;
	v2 =	vmul.f32 v4, v0;
	v4 =	vpop (erf)  }
0x48: {  	v7 =	vld [tilespmem:s14+$0xFFFFFFE0];
	[tilespmem:s12+$0x0] =	vst v3;
	v3 =	vmul.f32 v4, v0;
	v4 =	vpop (erf)  }
0x49: {  	v8 =	vld [tilespmem:s14+$0x0];
	[tilespmem:s12+$0x10] =	vst v2;
	v2 =	vmul.f32 v4, v0;
	v4 =	vpop (erf)  }
0x4a: {  	v9 =	vld [tilespmem:s14+$0x10];
	v4 =	vmul.f32 v4, v0;
	[tilespmem:s12+$0x20] =	vst v3  }
0x4b: {  	v3 =	vsub.f32 v5, v1;
	v5 =	vld [tilespmem:s14+$0x20];
	[tilespmem:s12+$0x30] =	vst v2  }
0x4c: {  	s13 =	sadd.s32 $0x8, s13;
	v2 =	vsub.f32 v6, v1;
	v6 =	vld [tilespmem:s14+$0x30];
	[tilespmem:s12+$0xFFFFFFF0] =	vst v4;
	s12 =	smov.u32 s14  }
0x4d: {  	p0 =	slt.u32 s13, $0x318;
	v3 =	vmul.f32 $1.442695020e+00, v3;
	v4 =	vsub.f32 v7, v1;
	v7 =	vld [tilespmem:s14+$0xFFFFFFF0]  }
0x4e: {  	v2 =	vmul.f32 $1.442695020e+00, v2;
	v8 =	vsub.f32 v8, v1  }
0x4f: {  	v4 =	vmul.f32 $1.442695020e+00, v4;
	v9 =	vsub.f32 v9, v1;
	(erf) = vpow2.f32 v3  }
0x50: {  	v3 =	vmul.f32 $1.442695020e+00, v8;
	v5 =	vsub.f32 v5, v1;
	(erf) = vpow2.f32 v2  }
0x51: {  	v2 =	vmul.f32 $1.442695020e+00, v9;
	v6 =	vsub.f32 v6, v1;
	(erf) = vpow2.f32 v4  }
0x52: {  	v4 =	vsub.f32 v7, v1;
	v5 =	vmul.f32 $1.442695020e+00, v5;
	(erf) = vpow2.f32 v3  }
0x53: {  	v3 =	vmul.f32 $1.442695020e+00, v6;
	(erf) = vpow2.f32 v2  }
0x54: {  	v2 =	vmul.f32 $1.442695020e+00, v4;
	(erf) = vpow2.f32 v5  }
0x55: {  	(erf) = vpow2.f32 v3  }
0x56: {  	(erf) = vpow2.f32 v2  }
.Ltmp0:
0x57: {  	(pc) =	sbr.rel @p0 .LBB2_2-.Ltmp0, $4  }
0x58: {  	v2 =	vpop (erf)  }
0x59: {  	v2 =	vmul.f32 v2, v0;
	v3 =	vpop (erf)  }
0x5a: {  	v3 =	vmul.f32 v3, v0;
	v4 =	vpop (erf)  }
0x5b: {  	s14 =	sadd.s32 $0x80, s14;
	[tilespmem:s12+$0xFFFFFFC0] =	vst v2;
	v2 =	vmul.f32 v4, v0;
	v4 =	vpop (erf)  }
0x5c: {  	[tilespmem:s12+$0xFFFFFFD0] =	vst v3;
	v3 =	vmul.f32 v4, v0;
	v4 =	vpop (erf)  }
0x5d: {  	[tilespmem:s12+$0xFFFFFFE0] =	vst v2;
	v2 =	vmul.f32 v4, v0;
	v4 =	vpop (erf)  }
0x5e: {  	[tilespmem:s12+$0x0] =	vst v3;
	v3 =	vmul.f32 v4, v0;
	v4 =	vpop (erf)  }
0x5f: {  	[tilespmem:s12+$0x10] =	vst v2;
	v2 =	vmul.f32 v4, v0;
	v4 =	vpop (erf)  }
0x60: {  	v4 =	vmul.f32 v4, v0;
	[tilespmem:s12+$0x20] =	vst v3  }
0x61: {  	[tilespmem:s12+$0x30] =	vst v2  }
0x62: {  	[tilespmem:s12+$0xFFFFFFF0] =	vst v4  }
0x63: {  	[spmem:s26] =	stream.linear.scatter [tilespmem:s3], [sflag:$0x5], $0x3200, $0x38;
	[tilespmem:$0x1BD28] =	vst v63  }
0x64: {  	_ =	swait.ge [sflag:s4], $0x3200  }
0x65: {  	[sflag:s4] =	ssyncset.done $0x0  }
0x66: {  	[sflag:s4] =	ssyncadd.s32 $0xFFFFCE00  }
0x67: {  	_ =	swait.ge [sflag:s6], $0x3200  }
0x68: {  	[sflag:s6] =	ssyncset.done $0x0  }
0x69: {  	s12 =	simm.s32 $0x9640;
	s14 =	rddreg [dreg:$0x9];
	[sflag:s6] =	ssyncadd.s32 $0xFFFFCE00  }
0x6a: {  	[tilespmem:s3], [sflag:$0x3] =	stream.linear.gather [hbm4b:s14+s1], $0x3200, $0x38;
	[tilespmem:$0x1BD28] =	vst v63  }
0x6b: {  	v2 =	vld [tilespmem:s12+$0xFFFFFFC0]  }
0x6c: {  	v3 =	vld [tilespmem:s12+$0xFFFFFFD0];
	_ =	sdelay $0x1  }
0x6d: {  	v4 =	vld [tilespmem:s12+$0xFFFFFFE0]  }
0x6e: {  	v5 =	vld [tilespmem:s12+$0x0]  }
0x6f: {  	v2 =	vsub.f32 v2, v1  }
0x70: {  	v3 =	vsub.f32 v3, v1  }
0x71: {  	v6 =	vld [tilespmem:s12+$0x10];
	v2 =	vmul.f32 $1.442695020e+00, v2  }
0x72: {  	v7 =	vld [tilespmem:s12+$0x20];
	v4 =	vsub.f32 v4, v1;
	v3 =	vmul.f32 $1.442695020e+00, v3  }
0x73: {  	v5 =	vsub.f32 v5, v1;
	(erf) = vpow2.f32 v2;
	v2 =	vld [tilespmem:s12+$0x30]  }
0x74: {  	v4 =	vmul.f32 $1.442695020e+00, v4;
	(erf) = vpow2.f32 v3;
	v3 =	vld [tilespmem:s12+$0xFFFFFFF0]  }
0x75: {  	v5 =	vmul.f32 $1.442695020e+00, v5  }
0x76: {  	(erf) = vpow2.f32 v4;
	v4 =	vsub.f32 v6, v1  }
0x77: {  	(erf) = vpow2.f32 v5;
	v5 =	vsub.f32 v7, v1  }
0x78: {  	v4 =	vmul.f32 $1.442695020e+00, v4;
	v2 =	vsub.f32 v2, v1  }
0x79: {  	v5 =	vmul.f32 $1.442695020e+00, v5;
	v3 =	vsub.f32 v3, v1  }
0x7a: {  	(erf) = vpow2.f32 v4;
	v2 =	vmul.f32 $1.442695020e+00, v2  }
0x7b: {  	(erf) = vpow2.f32 v5;
	v3 =	vmul.f32 $1.442695020e+00, v3  }
0x7c: {  	v4 =	vpop (erf);
	(erf) = vpow2.f32 v2  }
0x7d: {  	(erf) = vpow2.f32 v3;
	_ =	sdelay $0x2  }
0x7e: {  	v2 =	vmul.f32 v4, v0;
	v4 =	vpop (erf)  }
0x7f: {  	v5 =	vpop (erf);
	v3 =	vmul.f32 v4, v0  }
0x80: {  	s13 =	simm.s32 $0x0;
	s14 =	simm.s32 $0x96C0;
	[tilespmem:s12+$0xFFFFFFC0] =	vst v2;
	v2 =	vmul.f32 v5, v0;
	v4 =	vpop (erf)  }
.LBB2_4:
0x81: {  	v5 =	vld [tilespmem:s14+$0xFFFFFFC0];
	[tilespmem:s12+$0xFFFFFFD0] =	vst v3;
	v3 =	vmul.f32 v4, v0;
	v4 =	vpop (erf)  }
0x82: {  	v6 =	vld [tilespmem:s14+$0xFFFFFFD0];
	[tilespmem:s12+$0xFFFFFFE0] =	vst v2;
	v2 =	vmul.f32 v4, v0;
	v4 =	vpop (erf)  }
0x83: {  	v7 =	vld [tilespmem:s14+$0xFFFFFFE0];
	[tilespmem:s12+$0x0] =	vst v3;
	v3 =	vmul.f32 v4, v0;
	v4 =	vpop (erf)  }
0x84: {  	v8 =	vld [tilespmem:s14+$0x0];
	[tilespmem:s12+$0x10] =	vst v2;
	v2 =	vmul.f32 v4, v0;
	v4 =	vpop (erf)  }
0x85: {  	v9 =	vld [tilespmem:s14+$0x10];
	v4 =	vmul.f32 v4, v0;
	[tilespmem:s12+$0x20] =	vst v3  }
0x86: {  	v3 =	vsub.f32 v5, v1;
	v5 =	vld [tilespmem:s14+$0x20];
	[tilespmem:s12+$0x30] =	vst v2  }
0x87: {  	s13 =	sadd.s32 $0x8, s13;
	v2 =	vsub.f32 v6, v1;
	v6 =	vld [tilespmem:s14+$0x30];
	[tilespmem:s12+$0xFFFFFFF0] =	vst v4;
	s12 =	smov.u32 s14  }
0x88: {  	p0 =	slt.u32 s13, $0x318;
	v3 =	vmul.f32 $1.442695020e+00, v3;
	v4 =	vsub.f32 v7, v1;
	v7 =	vld [tilespmem:s14+$0xFFFFFFF0]  }
0x89: {  	v2 =	vmul.f32 $1.442695020e+00, v2;
	v8 =	vsub.f32 v8, v1  }
0x8a: {  	v4 =	vmul.f32 $1.442695020e+00, v4;
	v9 =	vsub.f32 v9, v1;
	(erf) = vpow2.f32 v3  }
0x8b: {  	v3 =	vmul.f32 $1.442695020e+00, v8;
	v5 =	vsub.f32 v5, v1;
	(erf) = vpow2.f32 v2  }
0x8c: {  	v2 =	vmul.f32 $1.442695020e+00, v9;
	v6 =	vsub.f32 v6, v1;
	(erf) = vpow2.f32 v4  }
0x8d: {  	v4 =	vsub.f32 v7, v1;
	v5 =	vmul.f32 $1.442695020e+00, v5;
	(erf) = vpow2.f32 v3  }
0x8e: {  	v3 =	vmul.f32 $1.442695020e+00, v6;
	(erf) = vpow2.f32 v2  }
0x8f: {  	v2 =	vmul.f32 $1.442695020e+00, v4;
	(erf) = vpow2.f32 v5  }
0x90: {  	(erf) = vpow2.f32 v3  }
0x91: {  	(erf) = vpow2.f32 v2  }
.Ltmp1:
0x92: {  	(pc) =	sbr.rel @p0 .LBB2_4-.Ltmp1, $4  }
0x93: {  	v2 =	vpop (erf)  }
0x94: {  	v2 =	vmul.f32 v2, v0;
	v3 =	vpop (erf)  }
0x95: {  	v3 =	vmul.f32 v3, v0;
	v4 =	vpop (erf)  }
0x96: {  	s14 =	sadd.s32 $0x80, s14;
	[tilespmem:s12+$0xFFFFFFC0] =	vst v2;
	v2 =	vmul.f32 v4, v0;
	v4 =	vpop (erf)  }
0x97: {  	[tilespmem:s12+$0xFFFFFFD0] =	vst v3;
	v3 =	vmul.f32 v4, v0;
	v4 =	vpop (erf)  }
0x98: {  	[tilespmem:s12+$0xFFFFFFE0] =	vst v2;
	v2 =	vmul.f32 v4, v0;
	v4 =	vpop (erf)  }
0x99: {  	[tilespmem:s12+$0x0] =	vst v3;
	v3 =	vmul.f32 v4, v0;
	v4 =	vpop (erf)  }
0x9a: {  	[tilespmem:s12+$0x10] =	vst v2;
	v2 =	vmul.f32 v4, v0;
	v4 =	vpop (erf)  }
0x9b: {  	v4 =	vmul.f32 v4, v0;
	[tilespmem:s12+$0x20] =	vst v3  }
0x9c: {  	[tilespmem:s12+$0x30] =	vst v2  }
0x9d: {  	[tilespmem:s12+$0xFFFFFFF0] =	vst v4  }
0x9e: {  	[spmem:s28] =	stream.linear.scatter [tilespmem:s5], [sflag:$0x6], $0x3200, $0x38;
	[tilespmem:$0x1BD28] =	vst v63  }
0x9f: {  	_ =	swait.ge [sflag:s4], $0x3200  }
0xa0: {  	[sflag:s4] =	ssyncset.done $0x0  }
0xa1: {  	[sflag:s4] =	ssyncadd.s32 $0xFFFFCE00  }
0xa2: {  	_ =	swait.ge [sflag:s7], $0x3200  }
0xa3: {  	[sflag:s7] =	ssyncset.done $0x0  }
0xa4: {  	s12 =	simm.s32 $0x6440;
	s14 =	rddreg [dreg:$0xa];
	[sflag:s7] =	ssyncadd.s32 $0xFFFFCE00  }
0xa5: {  	[tilespmem:s5], [sflag:$0x3] =	stream.linear.gather [hbm4b:s14+s1], $0x3200, $0x38;
	[tilespmem:$0x1BD28] =	vst v63  }
0xa6: {  	v2 =	vld [tilespmem:s12+$0xFFFFFFC0]  }
0xa7: {  	v3 =	vld [tilespmem:s12+$0xFFFFFFD0];
	_ =	sdelay $0x1  }
0xa8: {  	v4 =	vld [tilespmem:s12+$0xFFFFFFE0]  }
0xa9: {  	v5 =	vld [tilespmem:s12+$0x0]  }
0xaa: {  	v2 =	vsub.f32 v2, v1  }
0xab: {  	v3 =	vsub.f32 v3, v1  }
0xac: {  	v6 =	vld [tilespmem:s12+$0x10];
	v2 =	vmul.f32 $1.442695020e+00, v2  }
0xad: {  	v7 =	vld [tilespmem:s12+$0x20];
	v4 =	vsub.f32 v4, v1;
	v3 =	vmul.f32 $1.442695020e+00, v3  }
0xae: {  	v5 =	vsub.f32 v5, v1;
	(erf) = vpow2.f32 v2;
	v2 =	vld [tilespmem:s12+$0x30]  }
0xaf: {  	v4 =	vmul.f32 $1.442695020e+00, v4;
	(erf) = vpow2.f32 v3;
	v3 =	vld [tilespmem:s12+$0xFFFFFFF0]  }
0xb0: {  	v5 =	vmul.f32 $1.442695020e+00, v5  }
0xb1: {  	(erf) = vpow2.f32 v4;
	v4 =	vsub.f32 v6, v1  }
0xb2: {  	(erf) = vpow2.f32 v5;
	v5 =	vsub.f32 v7, v1  }
0xb3: {  	v4 =	vmul.f32 $1.442695020e+00, v4;
	v2 =	vsub.f32 v2, v1  }
0xb4: {  	v5 =	vmul.f32 $1.442695020e+00, v5;
	v3 =	vsub.f32 v3, v1  }
0xb5: {  	(erf) = vpow2.f32 v4;
	v2 =	vmul.f32 $1.442695020e+00, v2  }
0xb6: {  	(erf) = vpow2.f32 v5;
	v3 =	vmul.f32 $1.442695020e+00, v3  }
0xb7: {  	v4 =	vpop (erf);
	(erf) = vpow2.f32 v2  }
0xb8: {  	(erf) = vpow2.f32 v3;
	_ =	sdelay $0x2  }
0xb9: {  	v2 =	vmul.f32 v4, v0;
	v4 =	vpop (erf)  }
0xba: {  	v5 =	vpop (erf);
	v3 =	vmul.f32 v4, v0  }
0xbb: {  	s13 =	simm.s32 $0x0;
	s14 =	simm.s32 $0x64C0;
	[tilespmem:s12+$0xFFFFFFC0] =	vst v2;
	v2 =	vmul.f32 v5, v0;
	v4 =	vpop (erf)  }
.LBB2_6:
0xbc: {  	v5 =	vld [tilespmem:s14+$0xFFFFFFC0];
	[tilespmem:s12+$0xFFFFFFD0] =	vst v3;
	v3 =	vmul.f32 v4, v0;
	v4 =	vpop (erf)  }
0xbd: {  	v6 =	vld [tilespmem:s14+$0xFFFFFFD0];
	[tilespmem:s12+$0xFFFFFFE0] =	vst v2;
	v2 =	vmul.f32 v4, v0;
	v4 =	vpop (erf)  }
0xbe: {  	v7 =	vld [tilespmem:s14+$0xFFFFFFE0];
	[tilespmem:s12+$0x0] =	vst v3;
	v3 =	vmul.f32 v4, v0;
	v4 =	vpop (erf)  }
0xbf: {  	v8 =	vld [tilespmem:s14+$0x0];
	[tilespmem:s12+$0x10] =	vst v2;
	v2 =	vmul.f32 v4, v0;
	v4 =	vpop (erf)  }
0xc0: {  	v9 =	vld [tilespmem:s14+$0x10];
	v4 =	vmul.f32 v4, v0;
	[tilespmem:s12+$0x20] =	vst v3  }
0xc1: {  	v3 =	vsub.f32 v5, v1;
	v5 =	vld [tilespmem:s14+$0x20];
	[tilespmem:s12+$0x30] =	vst v2  }
0xc2: {  	s13 =	sadd.s32 $0x8, s13;
	v2 =	vsub.f32 v6, v1;
	v6 =	vld [tilespmem:s14+$0x30];
	[tilespmem:s12+$0xFFFFFFF0] =	vst v4;
	s12 =	smov.u32 s14  }
0xc3: {  	p0 =	slt.u32 s13, $0x318;
	v3 =	vmul.f32 $1.442695020e+00, v3;
	v4 =	vsub.f32 v7, v1;
	v7 =	vld [tilespmem:s14+$0xFFFFFFF0]  }
0xc4: {  	v2 =	vmul.f32 $1.442695020e+00, v2;
	v8 =	vsub.f32 v8, v1  }
0xc5: {  	v4 =	vmul.f32 $1.442695020e+00, v4;
	v9 =	vsub.f32 v9, v1;
	(erf) = vpow2.f32 v3  }
0xc6: {  	v3 =	vmul.f32 $1.442695020e+00, v8;
	v5 =	vsub.f32 v5, v1;
	(erf) = vpow2.f32 v2  }
0xc7: {  	v2 =	vmul.f32 $1.442695020e+00, v9;
	v6 =	vsub.f32 v6, v1;
	(erf) = vpow2.f32 v4  }
0xc8: {  	v4 =	vsub.f32 v7, v1;
	v5 =	vmul.f32 $1.442695020e+00, v5;
	(erf) = vpow2.f32 v3  }
0xc9: {  	v3 =	vmul.f32 $1.442695020e+00, v6;
	(erf) = vpow2.f32 v2  }
0xca: {  	v2 =	vmul.f32 $1.442695020e+00, v4;
	(erf) = vpow2.f32 v5  }
0xcb: {  	(erf) = vpow2.f32 v3  }
0xcc: {  	(erf) = vpow2.f32 v2  }
.Ltmp2:
0xcd: {  	(pc) =	sbr.rel @p0 .LBB2_6-.Ltmp2, $4  }
0xce: {  	v2 =	vpop (erf)  }
0xcf: {  	v2 =	vmul.f32 v2, v0;
	v3 =	vpop (erf)  }
0xd0: {  	v3 =	vmul.f32 v3, v0;
	v4 =	vpop (erf)  }
0xd1: {  	s14 =	sadd.s32 $0x80, s14;
	[tilespmem:s12+$0xFFFFFFC0] =	vst v2;
	v2 =	vmul.f32 v4, v0;
	v4 =	vpop (erf)  }
0xd2: {  	[tilespmem:s12+$0xFFFFFFD0] =	vst v3;
	v3 =	vmul.f32 v4, v0;
	v4 =	vpop (erf)  }
0xd3: {  	[tilespmem:s12+$0xFFFFFFE0] =	vst v2;
	v2 =	vmul.f32 v4, v0;
	v4 =	vpop (erf)  }
0xd4: {  	[tilespmem:s12+$0x0] =	vst v3;
	v3 =	vmul.f32 v4, v0;
	v4 =	vpop (erf)  }
0xd5: {  	[tilespmem:s12+$0x10] =	vst v2;
	v2 =	vmul.f32 v4, v0;
	v4 =	vpop (erf)  }
0xd6: {  	v4 =	vmul.f32 v4, v0;
	[tilespmem:s12+$0x20] =	vst v3  }
0xd7: {  	[tilespmem:s12+$0x30] =	vst v2  }
0xd8: {  	[tilespmem:s12+$0xFFFFFFF0] =	vst v4  }
0xd9: {  	[spmem:s29] =	stream.linear.scatter [tilespmem:s3], [sflag:$0x5], $0x3200, $0x38;
	[tilespmem:$0x1BD28] =	vst v63  }
0xda: {  	_ =	swait.ge [sflag:s4], $0x3200  }
0xdb: {  	[sflag:s4] =	ssyncset.done $0x0  }
0xdc: {  	[sflag:s4] =	ssyncadd.s32 $0xFFFFCE00  }
0xdd: {  	_ =	swait.ge [sflag:s6], $0x3200  }
0xde: {  	[sflag:s6] =	ssyncset.done $0x0  }
0xdf: {  	s12 =	simm.s32 $0x9640;
	s14 =	rddreg [dreg:$0xb];
	[sflag:s6] =	ssyncadd.s32 $0xFFFFCE00  }
0xe0: {  	[tilespmem:s3], [sflag:$0x3] =	stream.linear.gather [hbm4b:s14+s1], $0x2C28, $0x38;
	[tilespmem:$0x1BD28] =	vst v63  }
0xe1: {  	v2 =	vld [tilespmem:s12+$0xFFFFFFC0]  }
0xe2: {  	v3 =	vld [tilespmem:s12+$0xFFFFFFD0];
	_ =	sdelay $0x1  }
0xe3: {  	v4 =	vld [tilespmem:s12+$0xFFFFFFE0]  }
0xe4: {  	v5 =	vld [tilespmem:s12+$0x0]  }
0xe5: {  	v2 =	vsub.f32 v2, v1  }
0xe6: {  	v3 =	vsub.f32 v3, v1  }
0xe7: {  	v6 =	vld [tilespmem:s12+$0x10];
	v2 =	vmul.f32 $1.442695020e+00, v2  }
0xe8: {  	v7 =	vld [tilespmem:s12+$0x20];
	v4 =	vsub.f32 v4, v1;
	v3 =	vmul.f32 $1.442695020e+00, v3  }
0xe9: {  	v5 =	vsub.f32 v5, v1;
	(erf) = vpow2.f32 v2;
	v2 =	vld [tilespmem:s12+$0x30]  }
0xea: {  	v4 =	vmul.f32 $1.442695020e+00, v4;
	(erf) = vpow2.f32 v3;
	v3 =	vld [tilespmem:s12+$0xFFFFFFF0]  }
0xeb: {  	v5 =	vmul.f32 $1.442695020e+00, v5  }
0xec: {  	(erf) = vpow2.f32 v4;
	v4 =	vsub.f32 v6, v1  }
0xed: {  	(erf) = vpow2.f32 v5;
	v5 =	vsub.f32 v7, v1  }
0xee: {  	v4 =	vmul.f32 $1.442695020e+00, v4;
	v2 =	vsub.f32 v2, v1  }
0xef: {  	v5 =	vmul.f32 $1.442695020e+00, v5;
	v3 =	vsub.f32 v3, v1  }
0xf0: {  	(erf) = vpow2.f32 v4;
	v2 =	vmul.f32 $1.442695020e+00, v2  }
0xf1: {  	(erf) = vpow2.f32 v5;
	v3 =	vmul.f32 $1.442695020e+00, v3  }
0xf2: {  	v4 =	vpop (erf);
	(erf) = vpow2.f32 v2  }
0xf3: {  	(erf) = vpow2.f32 v3;
	_ =	sdelay $0x2  }
0xf4: {  	v2 =	vmul.f32 v4, v0;
	v4 =	vpop (erf)  }
0xf5: {  	v5 =	vpop (erf);
	v3 =	vmul.f32 v4, v0  }
0xf6: {  	s13 =	simm.s32 $0x0;
	s14 =	simm.s32 $0x96C0;
	[tilespmem:s12+$0xFFFFFFC0] =	vst v2;
	v2 =	vmul.f32 v5, v0;
	v4 =	vpop (erf)  }
.LBB2_8:
0xf7: {  	v5 =	vld [tilespmem:s14+$0xFFFFFFC0];
	[tilespmem:s12+$0xFFFFFFD0] =	vst v3;
	v3 =	vmul.f32 v4, v0;
	v4 =	vpop (erf)  }
0xf8: {  	v6 =	vld [tilespmem:s14+$0xFFFFFFD0];
	[tilespmem:s12+$0xFFFFFFE0] =	vst v2;
	v2 =	vmul.f32 v4, v0;
	v4 =	vpop (erf)  }
0xf9: {  	v7 =	vld [tilespmem:s14+$0xFFFFFFE0];
	[tilespmem:s12+$0x0] =	vst v3;
	v3 =	vmul.f32 v4, v0;
	v4 =	vpop (erf)  }
0xfa: {  	v8 =	vld [tilespmem:s14+$0x0];
	[tilespmem:s12+$0x10] =	vst v2;
	v2 =	vmul.f32 v4, v0;
	v4 =	vpop (erf)  }
0xfb: {  	v9 =	vld [tilespmem:s14+$0x10];
	v4 =	vmul.f32 v4, v0;
	[tilespmem:s12+$0x20] =	vst v3  }
0xfc: {  	v3 =	vsub.f32 v5, v1;
	v5 =	vld [tilespmem:s14+$0x20];
	[tilespmem:s12+$0x30] =	vst v2  }
0xfd: {  	s13 =	sadd.s32 $0x8, s13;
	v2 =	vsub.f32 v6, v1;
	v6 =	vld [tilespmem:s14+$0x30];
	[tilespmem:s12+$0xFFFFFFF0] =	vst v4;
	s12 =	smov.u32 s14  }
0xfe: {  	p0 =	slt.u32 s13, $0x318;
	v3 =	vmul.f32 $1.442695020e+00, v3;
	v4 =	vsub.f32 v7, v1;
	v7 =	vld [tilespmem:s14+$0xFFFFFFF0]  }
0xff: {  	v2 =	vmul.f32 $1.442695020e+00, v2;
	v8 =	vsub.f32 v8, v1  }
0x100: {  	v4 =	vmul.f32 $1.442695020e+00, v4;
	v9 =	vsub.f32 v9, v1;
	(erf) = vpow2.f32 v3  }
0x101: {  	v3 =	vmul.f32 $1.442695020e+00, v8;
	v5 =	vsub.f32 v5, v1;
	(erf) = vpow2.f32 v2  }
0x102: {  	v2 =	vmul.f32 $1.442695020e+00, v9;
	v6 =	vsub.f32 v6, v1;
	(erf) = vpow2.f32 v4  }
0x103: {  	v4 =	vsub.f32 v7, v1;
	v5 =	vmul.f32 $1.442695020e+00, v5;
	(erf) = vpow2.f32 v3  }
0x104: {  	v3 =	vmul.f32 $1.442695020e+00, v6;
	(erf) = vpow2.f32 v2  }
0x105: {  	v2 =	vmul.f32 $1.442695020e+00, v4;
	(erf) = vpow2.f32 v5  }
0x106: {  	(erf) = vpow2.f32 v3  }
0x107: {  	(erf) = vpow2.f32 v2  }
.Ltmp3:
0x108: {  	(pc) =	sbr.rel @p0 .LBB2_8-.Ltmp3, $4  }
0x109: {  	v2 =	vpop (erf)  }
0x10a: {  	v2 =	vmul.f32 v2, v0;
	v3 =	vpop (erf)  }
0x10b: {  	v3 =	vmul.f32 v3, v0;
	v4 =	vpop (erf)  }
0x10c: {  	s14 =	sadd.s32 $0x80, s14;
	[tilespmem:s12+$0xFFFFFFC0] =	vst v2;
	v2 =	vmul.f32 v4, v0;
	v4 =	vpop (erf)  }
0x10d: {  	[tilespmem:s12+$0xFFFFFFD0] =	vst v3;
	v3 =	vmul.f32 v4, v0;
	v4 =	vpop (erf)  }
0x10e: {  	[tilespmem:s12+$0xFFFFFFE0] =	vst v2;
	v2 =	vmul.f32 v4, v0;
	v4 =	vpop (erf)  }
0x10f: {  	[tilespmem:s12+$0x0] =	vst v3;
	v3 =	vmul.f32 v4, v0;
	v4 =	vpop (erf)  }
0x110: {  	[tilespmem:s12+$0x10] =	vst v2;
	v2 =	vmul.f32 v4, v0;
	v4 =	vpop (erf)  }
0x111: {  	v4 =	vmul.f32 v4, v0;
	[tilespmem:s12+$0x20] =	vst v3  }
0x112: {  	[tilespmem:s12+$0x30] =	vst v2  }
0x113: {  	[tilespmem:s12+$0xFFFFFFF0] =	vst v4  }
0x114: {  	[spmem:s30] =	stream.linear.scatter [tilespmem:s5], [sflag:$0x6], $0x3200, $0x38;
	[tilespmem:$0x1BD28] =	vst v63  }
0x115: {  	_ =	swait.ge [sflag:s4], $0x2C28  }
0x116: {  	[sflag:s4] =	ssyncset.done $0x0  }
0x117: {  	s12 =	simm.s32 $0x6440;
	[sflag:s4] =	ssyncadd.s32 $0xFFFFD3D8  }
0x118: {  	v2 =	vld [tilespmem:s12+$0xFFFFFFC0]  }
0x119: {  	v3 =	vld [tilespmem:s12+$0xFFFFFFD0];
	_ =	sdelay $0x1  }
0x11a: {  	v4 =	vld [tilespmem:s12+$0xFFFFFFE0]  }
0x11b: {  	v5 =	vld [tilespmem:s12+$0x0]  }
0x11c: {  	v2 =	vsub.f32 v2, v1  }
0x11d: {  	v3 =	vsub.f32 v3, v1  }
0x11e: {  	v6 =	vld [tilespmem:s12+$0x10];
	v2 =	vmul.f32 $1.442695020e+00, v2  }
0x11f: {  	v7 =	vld [tilespmem:s12+$0x20];
	v4 =	vsub.f32 v4, v1;
	v3 =	vmul.f32 $1.442695020e+00, v3  }
0x120: {  	v5 =	vsub.f32 v5, v1;
	(erf) = vpow2.f32 v2;
	v2 =	vld [tilespmem:s12+$0x30]  }
0x121: {  	v4 =	vmul.f32 $1.442695020e+00, v4;
	(erf) = vpow2.f32 v3;
	v3 =	vld [tilespmem:s12+$0xFFFFFFF0]  }
0x122: {  	v5 =	vmul.f32 $1.442695020e+00, v5  }
0x123: {  	(erf) = vpow2.f32 v4;
	v4 =	vsub.f32 v6, v1  }
0x124: {  	(erf) = vpow2.f32 v5;
	v5 =	vsub.f32 v7, v1  }
0x125: {  	v4 =	vmul.f32 $1.442695020e+00, v4;
	v2 =	vsub.f32 v2, v1  }
0x126: {  	v5 =	vmul.f32 $1.442695020e+00, v5;
	v3 =	vsub.f32 v3, v1  }
0x127: {  	(erf) = vpow2.f32 v4;
	v2 =	vmul.f32 $1.442695020e+00, v2  }
0x128: {  	(erf) = vpow2.f32 v5;
	v3 =	vmul.f32 $1.442695020e+00, v3  }
0x129: {  	v4 =	vpop (erf);
	(erf) = vpow2.f32 v2  }
0x12a: {  	(erf) = vpow2.f32 v3;
	_ =	sdelay $0x2  }
0x12b: {  	v2 =	vmul.f32 v4, v0;
	v4 =	vpop (erf)  }
0x12c: {  	v5 =	vpop (erf);
	v3 =	vmul.f32 v4, v0  }
0x12d: {  	s13 =	simm.s32 $0x0;
	s14 =	simm.s32 $0x64C0;
	[tilespmem:s12+$0xFFFFFFC0] =	vst v2;
	v2 =	vmul.f32 v5, v0;
	v4 =	vpop (erf)  }
.LBB2_10:
0x12e: {  	v5 =	vld [tilespmem:s14+$0xFFFFFFC0];
	[tilespmem:s12+$0xFFFFFFD0] =	vst v3;
	v3 =	vmul.f32 v4, v0;
	v4 =	vpop (erf)  }
0x12f: {  	v6 =	vld [tilespmem:s14+$0xFFFFFFD0];
	[tilespmem:s12+$0xFFFFFFE0] =	vst v2;
	v2 =	vmul.f32 v4, v0;
	v4 =	vpop (erf)  }
0x130: {  	v7 =	vld [tilespmem:s14+$0xFFFFFFE0];
	[tilespmem:s12+$0x0] =	vst v3;
	v3 =	vmul.f32 v4, v0;
	v4 =	vpop (erf)  }
0x131: {  	v8 =	vld [tilespmem:s14+$0x0];
	[tilespmem:s12+$0x10] =	vst v2;
	v2 =	vmul.f32 v4, v0;
	v4 =	vpop (erf)  }
0x132: {  	v9 =	vld [tilespmem:s14+$0x10];
	v4 =	vmul.f32 v4, v0;
	[tilespmem:s12+$0x20] =	vst v3  }
0x133: {  	v3 =	vsub.f32 v5, v1;
	v5 =	vld [tilespmem:s14+$0x20];
	[tilespmem:s12+$0x30] =	vst v2  }
0x134: {  	s13 =	sadd.s32 $0x8, s13;
	v2 =	vsub.f32 v6, v1;
	v6 =	vld [tilespmem:s14+$0x30];
	[tilespmem:s12+$0xFFFFFFF0] =	vst v4;
	s12 =	smov.u32 s14  }
0x135: {  	p0 =	slt.u32 s13, $0x2B8;
	v3 =	vmul.f32 $1.442695020e+00, v3;
	v4 =	vsub.f32 v7, v1;
	v7 =	vld [tilespmem:s14+$0xFFFFFFF0]  }
0x136: {  	v2 =	vmul.f32 $1.442695020e+00, v2;
	v8 =	vsub.f32 v8, v1  }
0x137: {  	v4 =	vmul.f32 $1.442695020e+00, v4;
	v9 =	vsub.f32 v9, v1;
	(erf) = vpow2.f32 v3  }
0x138: {  	v3 =	vmul.f32 $1.442695020e+00, v8;
	v5 =	vsub.f32 v5, v1;
	(erf) = vpow2.f32 v2  }
0x139: {  	v2 =	vmul.f32 $1.442695020e+00, v9;
	v6 =	vsub.f32 v6, v1;
	(erf) = vpow2.f32 v4  }
0x13a: {  	v4 =	vsub.f32 v7, v1;
	v5 =	vmul.f32 $1.442695020e+00, v5;
	(erf) = vpow2.f32 v3  }
0x13b: {  	v3 =	vmul.f32 $1.442695020e+00, v6;
	(erf) = vpow2.f32 v2  }
0x13c: {  	v2 =	vmul.f32 $1.442695020e+00, v4;
	(erf) = vpow2.f32 v5  }
0x13d: {  	(erf) = vpow2.f32 v3  }
0x13e: {  	(erf) = vpow2.f32 v2  }
.Ltmp4:
0x13f: {  	(pc) =	sbr.rel @p0 .LBB2_10-.Ltmp4, $4  }
0x140: {  	v2 =	vpop (erf)  }
0x141: {  	v2 =	vmul.f32 v2, v0;
	v3 =	vpop (erf)  }
0x142: {  	v3 =	vmul.f32 v3, v0;
	v4 =	vpop (erf)  }
0x143: {  	s14 =	sadd.s32 $0x80, s14;
	[tilespmem:s12+$0xFFFFFFC0] =	vst v2;
	v2 =	vmul.f32 v4, v0;
	v4 =	vpop (erf)  }
0x144: {  	[tilespmem:s12+$0xFFFFFFD0] =	vst v3;
	v51 =	vmul.f32 v4, v0;
	v52 =	vpop (erf)  }
0x145: {  	[tilespmem:s12+$0xFFFFFFE0] =	vst v2;
	v53 =	vmul.f32 v52, v0;
	v54 =	vpop (erf)  }
0x146: {  	[tilespmem:s12+$0x0] =	vst v51;
	v55 =	vmul.f32 v54, v0;
	v56 =	vpop (erf)  }
0x147: {  	[tilespmem:s12+$0x10] =	vst v53;
	v57 =	vmul.f32 v56, v0;
	v58 =	vpop (erf)  }
0x148: {  	v4 =	vmul.f32 v58, v0;
	[tilespmem:s12+$0x20] =	vst v55  }
0x149: {  	[tilespmem:s12+$0x30] =	vst v57  }
0x14a: {  	[tilespmem:s12+$0xFFFFFFF0] =	vst v4  }
0x14b: {  	v2 =	vld [tilespmem:$0x9000]  }
0x14c: {  	v3 =	vld [tilespmem:$0x9010]  }
0x14d: {  	v4 =	vld [tilespmem:$0x9020];
	_ =	sdelay $0x2  }
0x14e: {  	v2 =	vsub.f32 v2, v1  }
0x14f: {  	v3 =	vsub.f32 v3, v1  }
0x150: {  	v59 =	vsub.f32 v4, v1;
	v2 =	vmul.f32 $1.442695020e+00, v2  }
0x151: {  	v3 =	vmul.f32 $1.442695020e+00, v3  }
0x152: {  	v1 =	vmul.f32 $1.442695020e+00, v59;
	(erf) = vpow2.f32 v2  }
0x153: {  	(erf) = vpow2.f32 v3  }
0x154: {  	(erf) = vpow2.f32 v1;
	_ =	sdelay $0x6  }
0x155: {  	v60 =	vpop (erf)  }
0x156: {  	v1 =	vmul.f32 v60, v0;
	v61 =	vpop (erf)  }
0x157: {  	v2 =	vmul.f32 v61, v0;
	v62 =	vpop (erf)  }
0x158: {  	[tilespmem:$0x9000] =	vst v1;
	v63 =	vmul.f32 v62, v0  }
0x159: {  	[tilespmem:$0x9010] =	vst v2  }
0x15a: {  	[tilespmem:$0x9020] =	vst v63  }
0x15b: {  	[spmem:s31] =	stream.linear.scatter [tilespmem:s3], [sflag:$0x5], $0x2C28, $0x38;
	[tilespmem:$0x1BD28] =	vst v63  }
0x15c: {  	_ =	swait.ge [sflag:s6], $0x2C28  }
0x15d: {  	[sflag:s6] =	ssyncset.done $0x0  }
0x15e: {  	[sflag:s6] =	ssyncadd.s32 $0xFFFFD3D8  }
0x15f: {  	_ =	swait.ge [sflag:s7], $0x3200  }
0x160: {  	[sflag:s7] =	ssyncset.done $0x0  }
0x161: {  	[sflag:s7] =	ssyncadd.s32 $0xFFFFCE00  }
0x162: {  	[bflag:$0x0] =	sbarrier.arrive $0xFFFF  }
0x163: {  	_ =	swait.ge [sflag:s8], $0x3200  }
0x164: {  	[sflag:s8] =	ssyncset.done $0x0  }
0x165: {  	[sflag:s8] =	ssyncadd.s32 $0xFFFFCE00  }
0x166: {  	[tilespmem:s3], [sflag:$0x3] =	stream.indirect.gather [spmem:s21], $0x1, s1, s0, $0xb8;
	[tilespmem:$0x1BD28] =	vst v63  }
0x167: {  	_ =	swait.ge [sflag:s9], $0x3200  }
0x168: {  	[sflag:s9] =	ssyncset.done $0x0  }
0x169: {  	[sflag:s9] =	ssyncadd.s32 $0xFFFFCE00  }
0x16a: {  	[tilespmem:s5], [sflag:$0x4] =	stream.indirect.gather [spmem:s21], $0x1, s0, s0, $0xb8;
	[tilespmem:$0x1BD28] =	vst v63  }
0x16b: {  	_ =	swait.ge [sflag:s4], $0x3200  }
0x16c: {  	[sflag:s4] =	ssyncset.done $0x0  }
0x16d: {  	s13 =	rddreg [dreg:$0xc];
	[sflag:s4] =	ssyncadd.s32 $0xFFFFCE00  }
0x16e: {  	[tilespmem:s1], [sflag:$0x1] =	stream.linear.gather [hbm4b:s13+s1], $0x3200, $0x38;
	[tilespmem:$0x1BD28] =	vst v63  }
0x16f: {  	_ = 	snop  }
0x170: {  	[hbm4b:s16+s1] =	stream.linear.scatter [tilespmem:s3], [sflag:$0x5], $0x3200, $0x38;
	[tilespmem:$0x1BD28] =	vst v63  }
0x171: {  	_ =	swait.ge [sflag:s6], $0x3200  }
0x172: {  	[sflag:s6] =	ssyncset.done $0x0  }
0x173: {  	[sflag:s6] =	ssyncadd.s32 $0xFFFFCE00  }
0x174: {  	_ =	swait.ge [sflag:s8], $0x3200  }
0x175: {  	[sflag:s8] =	ssyncset.done $0x0  }
0x176: {  	[sflag:s8] =	ssyncadd.s32 $0xFFFFCE00  }
0x177: {  	[tilespmem:s3], [sflag:$0x3] =	stream.indirect.gather [spmem:s21], $0x1, s1, s0, $0xb8;
	[tilespmem:$0x1BD28] =	vst v63  }
0x178: {  	_ =	swait.ge [sflag:s10], $0x3200  }
0x179: {  	[sflag:s10] =	ssyncset.done $0x0  }
0x17a: {  	s14 =	rddreg [dreg:$0xd];
	[sflag:s10] =	ssyncadd.s32 $0xFFFFCE00  }
0x17b: {  	[tilespmem:s0], [sflag:$0x2] =	stream.linear.gather [hbm4b:s14+s1], $0x3200, $0x38;
	[tilespmem:$0x1BD28] =	vst v63  }
0x17c: {  	s13 =	rddreg [dreg:$0xe]  }
0x17d: {  	[hbm4b:s13+s1] =	stream.linear.scatter [tilespmem:s5], [sflag:$0x6], $0x3200, $0x38;
	[tilespmem:$0x1BD28] =	vst v63  }
0x17e: {  	_ =	swait.ge [sflag:s7], $0x3200  }
0x17f: {  	[sflag:s7] =	ssyncset.done $0x0  }
0x180: {  	[sflag:s7] =	ssyncadd.s32 $0xFFFFCE00  }
0x181: {  	_ =	swait.ge [sflag:s9], $0x3200  }
0x182: {  	[sflag:s9] =	ssyncset.done $0x0  }
0x183: {  	[sflag:s9] =	ssyncadd.s32 $0xFFFFCE00  }
0x184: {  	[tilespmem:s5], [sflag:$0x4] =	stream.indirect.gather [spmem:s21], $0x1, s0, s0, $0xb8;
	[tilespmem:$0x1BD28] =	vst v63  }
0x185: {  	_ =	swait.ge [sflag:s4], $0x3200  }
0x186: {  	[sflag:s4] =	ssyncset.done $0x0  }
0x187: {  	s14 =	rddreg [dreg:$0xf];
	[sflag:s4] =	ssyncadd.s32 $0xFFFFCE00  }
0x188: {  	[tilespmem:s1], [sflag:$0x1] =	stream.linear.gather [hbm4b:s14+s1], $0x3200, $0x38;
	[tilespmem:$0x1BD28] =	vst v63  }
0x189: {  	s13 =	rddreg [dreg:$0x10]  }
0x18a: {  	[hbm4b:s13+s1] =	stream.linear.scatter [tilespmem:s3], [sflag:$0x5], $0x3200, $0x38;
	[tilespmem:$0x1BD28] =	vst v63  }
0x18b: {  	_ =	swait.ge [sflag:s6], $0x3200  }
0x18c: {  	[sflag:s6] =	ssyncset.done $0x0  }
0x18d: {  	[sflag:s6] =	ssyncadd.s32 $0xFFFFCE00  }
0x18e: {  	_ =	swait.ge [sflag:s8], $0x3200  }
0x18f: {  	[sflag:s8] =	ssyncset.done $0x0  }
0x190: {  	[sflag:s8] =	ssyncadd.s32 $0xFFFFCE00  }
0x191: {  	[tilespmem:s3], [sflag:$0x3] =	stream.indirect.gather [spmem:s21], $0x1, s1, s0, $0xb8;
	[tilespmem:$0x1BD28] =	vst v63  }
0x192: {  	_ =	swait.ge [sflag:s10], $0x3200  }
0x193: {  	[sflag:s10] =	ssyncset.done $0x0  }
0x194: {  	[sflag:s10] =	ssyncadd.s32 $0xFFFFCE00  }
0x195: {  	[tilespmem:s0], [sflag:$0x2] =	stream.linear.gather [hbm4b:s18+s1], $0x3200, $0x38;
	[tilespmem:$0x1BD28] =	vst v63  }
0x196: {  	s14 =	rddreg [dreg:$0x11]  }
0x197: {  	[hbm4b:s14+s1] =	stream.linear.scatter [tilespmem:s5], [sflag:$0x6], $0x3200, $0x38;
	[tilespmem:$0x1BD28] =	vst v63  }
0x198: {  	_ =	swait.ge [sflag:s7], $0x3200  }
0x199: {  	[sflag:s7] =	ssyncset.done $0x0  }
0x19a: {  	[sflag:s7] =	ssyncadd.s32 $0xFFFFCE00  }
0x19b: {  	_ =	swait.ge [sflag:s9], $0x3200  }
0x19c: {  	[sflag:s9] =	ssyncset.done $0x0  }
0x19d: {  	[sflag:s9] =	ssyncadd.s32 $0xFFFFCE00  }
0x19e: {  	[tilespmem:s5], [sflag:$0x4] =	stream.indirect.gather [spmem:s21], $0x1, s0, s0, $0xb8;
	[tilespmem:$0x1BD28] =	vst v63  }
0x19f: {  	_ =	swait.ge [sflag:s4], $0x3200  }
0x1a0: {  	[sflag:s4] =	ssyncset.done $0x0  }
0x1a1: {  	[sflag:s4] =	ssyncadd.s32 $0xFFFFCE00  }
0x1a2: {  	[tilespmem:s1], [sflag:$0x1] =	stream.linear.gather [hbm4b:s19+s1], $0x3200, $0x38;
	[tilespmem:$0x1BD28] =	vst v63  }
0x1a3: {  	_ = 	snop  }
0x1a4: {  	[hbm4b:s15+s1] =	stream.linear.scatter [tilespmem:s3], [sflag:$0x5], $0x3200, $0x38;
	[tilespmem:$0x1BD28] =	vst v63  }
0x1a5: {  	_ =	swait.ge [sflag:s6], $0x3200  }
0x1a6: {  	[sflag:s6] =	ssyncset.done $0x0  }
0x1a7: {  	[sflag:s6] =	ssyncadd.s32 $0xFFFFCE00  }
0x1a8: {  	_ =	swait.ge [sflag:s8], $0x3200  }
0x1a9: {  	[sflag:s8] =	ssyncset.done $0x0  }
0x1aa: {  	[sflag:s8] =	ssyncadd.s32 $0xFFFFCE00  }
0x1ab: {  	[tilespmem:s3], [sflag:$0x3] =	stream.indirect.gather [spmem:s21], $0x1, s1, s0, $0xb8;
	[tilespmem:$0x1BD28] =	vst v63  }
0x1ac: {  	_ =	swait.ge [sflag:s10], $0x3200  }
0x1ad: {  	[sflag:s10] =	ssyncset.done $0x0  }
0x1ae: {  	[sflag:s10] =	ssyncadd.s32 $0xFFFFCE00  }
0x1af: {  	[tilespmem:s0], [sflag:$0x2] =	stream.linear.gather [hbm4b:s20+s1], $0x3200, $0x38;
	[tilespmem:$0x1BD28] =	vst v63  }
0x1b0: {  	_ = 	snop  }
0x1b1: {  	[hbm4b:s22+s1] =	stream.linear.scatter [tilespmem:s5], [sflag:$0x6], $0x3200, $0x38;
	[tilespmem:$0x1BD28] =	vst v63  }
0x1b2: {  	_ =	swait.ge [sflag:s7], $0x3200  }
0x1b3: {  	[sflag:s7] =	ssyncset.done $0x0  }
0x1b4: {  	[sflag:s7] =	ssyncadd.s32 $0xFFFFCE00  }
0x1b5: {  	_ =	swait.ge [sflag:s9], $0x3200  }
0x1b6: {  	[sflag:s9] =	ssyncset.done $0x0  }
0x1b7: {  	[sflag:s9] =	ssyncadd.s32 $0xFFFFCE00  }
0x1b8: {  	[tilespmem:s5], [sflag:$0x4] =	stream.indirect.gather [spmem:s21], $0x1, s0, s0, $0xb8;
	[tilespmem:$0x1BD28] =	vst v63  }
0x1b9: {  	_ =	swait.ge [sflag:s4], $0x3200  }
0x1ba: {  	[sflag:s4] =	ssyncset.done $0x0  }
0x1bb: {  	[sflag:s4] =	ssyncadd.s32 $0xFFFFCE00  }
0x1bc: {  	[hbm4b:s23+s1] =	stream.linear.scatter [tilespmem:s3], [sflag:$0x5], $0x3200, $0x38;
	[tilespmem:$0x1BD28] =	vst v63  }
0x1bd: {  	_ =	swait.ge [sflag:s10], $0x3200  }
0x1be: {  	[sflag:s10] =	ssyncset.done $0x0  }
0x1bf: {  	s11 =	sadd.s32 $0x1, s11;
	[sflag:s10] =	ssyncadd.s32 $0xFFFFCE00  }
0x1c0: {  	[hbm4b:s24+s1] =	stream.linear.scatter [tilespmem:s5], [sflag:$0x6], $0x3200, $0x38;
	[tilespmem:$0x1BD28] =	vst v63  }
0x1c1: {  	p0 =	sne.s32 s11, s17;
	_ =	swait.ge [sflag:s6], $0x3200  }
.Ltmp5:
0x1c2: {  	[sflag:s6] =	ssyncset.done $0x0;
	(pc) =	sbr.rel @p0 .LBB2_1-.Ltmp5, $4  }
0x1c3: {  	[sflag:s6] =	ssyncadd.s32 $0xFFFFCE00  }
0x1c4: {  	_ =	swait.ge [sflag:s7], $0x3200  }
0x1c5: {  	[sflag:s7] =	ssyncset.done $0x0  }
0x1c6: {  	[sflag:s7] =	ssyncadd.s32 $0xFFFFCE00  }
0x1c7: {  	_ =	sfence.sel $0x180000  }
0x1c8: {  	[bflag:$0x0] =	sbarrier.arrive $0xFFFF  }
0x1c9: {  	_ =	strace $0x90000047  }
0x1ca: {  	s0 =	stileid.u32;
	[bflag:$0x2] =	sbarrier.arrive $0xFFFF  }
0x1cb: {  	p0 =	sne.s32 s0, $0x0;
	s0 =	rddreg [dreg:$0x4]  }
0x1cc: {  	s0 =	sadd.s32 @!p0 $0x100000, s0  }
0x1cd: {  	[sflag:s0] =	ssyncadd.tile.s32 @!p0 $0x1;
	_ =	shalt  }
.Lfunc_end2:
_tile_overlayer_lowered:
.L_overlay_start_2:
0x1ce: {  	(tag) =	ssettag $0x2  }
0x1cf: {  	s0 =	rddreg [dreg:$0x0];
	s2 =	stileid.u32  }
0x1d0: {  	s1 =	rddreg [dreg:$0x1];
	p0 =	sne.s32 s2, $0x0  }
0x1d1: {  	s3 =	rddreg [dreg:$0x2];
	[bflag:$0x3] =	sbarrier.arrive $0xFFFF;
	s2 =	simm.s32 @!p0 $0x1C07  }
0x1d2: {  	[timem:s3], [sflag:s2] =	dma.local @!p0 [hbm:s0], s1  }
0x1d3: {  	s0 =	simm.s32 @!p0 $0x7  }
0x1d4: {  	_ =	swait.ge @!p0 [sflag:s0], s1  }
0x1d5: {  	s1 =	ssub.s32 @!p0 $0x0, s1;
	[sflag:s0] =	ssyncset.done @!p0 $0x0  }
0x1d6: {  	[sflag:s0] =	ssyncadd.s32 @!p0 s1  }
0x1d7: {  	[bflag:$0x3] =	sbarrier.arrive $0xFFFF  }
0x1d8: {  	_ =	shalt  }

</sc_bundles>
